<compile_context>
chip_gen: v7x
topology: tpu7x:2x2x1
jax: 0.10.2.dev20260603
libtpu: 0.0.44.dev20260713+nightly
codegen_flags: <defaults>
</compile_context>

<pallas_src>
import functools

import jax
import jax.numpy as jnp
from jax import lax
from jax.experimental import pallas as pl
from jax.experimental.pallas import tpu as pltpu
from jax.experimental.pallas import tpu_sc as plsc

_NV = 100000
_BLK = 4000


def _moments0_kernel(d_ref, g_ref, s_ref):
    @pl.when(pl.program_id(0) == 0)
    def _init():
        g_ref[...] = jnp.zeros_like(g_ref)
        s_ref[...] = jnp.zeros_like(s_ref)

    d = d_ref[...]
    g_ref[...] += jax.lax.dot_general(
        d, d, (((0,), (0,)), ((), ())), preferred_element_type=jnp.float32)
    s_ref[...] += jnp.sum(d, axis=0, keepdims=True)


def _moments1_kernel(d_ref, a0_ref, c0_ref, m_ref, s_ref):
    @pl.when(pl.program_id(0) == 0)
    def _init():
        m_ref[...] = jnp.zeros_like(m_ref)
        s_ref[...] = jnp.zeros_like(s_ref)

    h = jnp.maximum(
        jnp.dot(d_ref[...], a0_ref[...], preferred_element_type=jnp.float32)
        + c0_ref[...], 0.0)
    m_ref[...] += jax.lax.dot_general(
        h, h, (((0,), (0,)), ((), ())), preferred_element_type=jnp.float32)
    s_ref[...] += jnp.sum(h, axis=0, keepdims=True)


def _mlp_kernel(d_ref, a0_ref, c0_ref, a1_ref, c1_ref, w2_ref, b2_ref, y_ref):
    h = jnp.maximum(
        jnp.dot(d_ref[...], a0_ref[...], preferred_element_type=jnp.float32)
        + c0_ref[...], 0.0)
    h = jnp.maximum(
        jnp.dot(h, a1_ref[...], preferred_element_type=jnp.float32)
        + c1_ref[...], 0.0)
    y_ref[...] = jnp.maximum(
        jnp.dot(h, w2_ref[...], preferred_element_type=jnp.float32)
        + b2_ref[...], 0.0)


def _row_spec(nc):
    return pl.BlockSpec((_BLK, nc), lambda i: (i, 0))


def _full_spec(shape):
    return pl.BlockSpec(shape, lambda i: tuple(0 for _ in shape))


def _fold(W, gn_w, gn_b, mean, var, eps=1e-5):
    inv = gn_w / jnp.sqrt(var + eps)
    return W * inv[None, :], gn_b - mean * inv


def kernel(distributed, indices, W0, gn0_w, gn0_b, W1, gn1_w, gn1_b, W2, b2):
    n = distributed.shape[0]
    grid = (n // _BLK,)
    nf = jnp.float32(n)

    G, s = pl.pallas_call(
        _moments0_kernel,
        grid=grid,
        in_specs=[_row_spec(5)],
        out_specs=[_full_spec((5, 5)), _full_spec((1, 5))],
        out_shape=[
            jax.ShapeDtypeStruct((5, 5), jnp.float32),
            jax.ShapeDtypeStruct((1, 5), jnp.float32),
        ],
    )(distributed)
    mu_x = s[0, :4] / nf
    M0 = G[:4, :4] / nf
    mean0 = mu_x @ W0
    Ey2 = jnp.einsum("aj,ab,bj->j", W0, M0, W0)
    var0 = Ey2 - mean0 * mean0
    A0, c0 = _fold(W0, gn0_w, gn0_b, mean0, var0)
    A0p = jnp.concatenate([A0, jnp.zeros((1, 32), jnp.float32)], axis=0)
    c0r = c0[None, :]

    M1, s1 = pl.pallas_call(
        _moments1_kernel,
        grid=grid,
        in_specs=[_row_spec(5), _full_spec((5, 32)), _full_spec((1, 32))],
        out_specs=[_full_spec((32, 32)), _full_spec((1, 32))],
        out_shape=[
            jax.ShapeDtypeStruct((32, 32), jnp.float32),
            jax.ShapeDtypeStruct((1, 32), jnp.float32),
        ],
    )(distributed, A0p, c0r)
    mu_h = s1[0] / nf
    Mh = M1 / nf
    mean1 = mu_h @ W1
    Ey2_1 = jnp.einsum("aj,ab,bj->j", W1, Mh, W1)
    var1 = Ey2_1 - mean1 * mean1
    A1, c1 = _fold(W1, gn1_w, gn1_b, mean1, var1)
    c1r = c1[None, :]

    y = pl.pallas_call(
        _mlp_kernel,
        grid=grid,
        in_specs=[
            _row_spec(5), _full_spec((5, 32)), _full_spec((1, 32)),
            _full_spec((32, 32)), _full_spec((1, 32)),
            _full_spec((32, 64)), _full_spec((1, 64)),
        ],
        out_specs=_row_spec(64),
        out_shape=jax.ShapeDtypeStruct((n, 64), jnp.float32),
    )(distributed, A0p, c0r, A1, c1r, W2, b2[None, :])

    flat = _sc_scatter_max(y, indices)
    return flat.reshape(_NCHUNK * _CH, 64)[:_NV]



_NCHUNK = 64
_CH = 1568
_ACCW = _CH * 64
_IB = 3200
_NBLK = 1600000 // _IB
_SCAP = 5280
_DRAIN = 2048


def _sc_scatter_max(y, indices):
    mesh = plsc.VectorSubcoreMesh(core_axis_name="c", subcore_axis_name="s")

    @functools.partial(
        pl.kernel,
        mesh=mesh,
        out_type=jax.ShapeDtypeStruct((_NCHUNK * _ACCW,), jnp.float32),
        scratch_types=[
            pltpu.VMEM((_ACCW,), jnp.float32),
            pltpu.VMEM((_IB,), jnp.int32),
            pltpu.VMEM((_IB,), jnp.int32),
            pltpu.VMEM((_SCAP,), jnp.int32),
            pltpu.VMEM((_SCAP,), jnp.int32),
            pltpu.VMEM((128, 64), jnp.float32),
            pltpu.SemaphoreType.DMA,
            pltpu.SemaphoreType.DMA,
        ],
        compiler_params=pltpu.CompilerParams(
            use_tc_tiling_on_sc=False, needs_layout_passes=False),
    )
    def scat(y_hbm, idx_hbm, out_hbm, accf, idx_buf0, idx_buf1, plist,
             rlist, rows_v, sem0, sem1):
        wid = lax.axis_index("s") * 2 + lax.axis_index("c")
        sems = [sem0, sem1]
        bufs = [idx_buf0, idx_buf1]
        iota = lax.iota(jnp.int32, 16)
        zeros16 = jnp.zeros((16,), jnp.int32)

        def drain(cnt):
            nch = (cnt + 127) // 128

            def gather_and_acc(j, _):
                pltpu.sync_copy(y_hbm.at[plist.at[pl.ds(j * 128, 128)]],
                                rows_v)
                nrows = jnp.minimum(128, cnt - j * 128)

                def acc_row(i, _):
                    rv = rlist[pl.ds(j * 128 + i, 16)]
                    base = rv[0] * 64
                    for s in range(4):
                        seg = rows_v[i, pl.ds(s * 16, 16)]
                        cur = accf[pl.ds(base + s * 16, 16)]
                        accf[pl.ds(base + s * 16, 16)] = jnp.maximum(cur, seg)
                    return 0

                lax.fori_loop(0, nrows, acc_row, 0)
                return 0

            lax.fori_loop(0, nch, gather_and_acc, 0)

        for r in range(2):
            chunk = wid + 32 * r
            lo = chunk * _CH

            def zrow(i, _):
                accf[pl.ds(i * 16, 16)] = jnp.zeros((16,), jnp.float32)
                return 0

            lax.fori_loop(0, _ACCW // 16, zrow, 0)

            def zpid(i, _):
                plist[pl.ds(i * 16, 16)] = zeros16
                return 0

            lax.fori_loop(0, _SCAP // 16, zpid, 0)

            pltpu.make_async_copy(idx_hbm.at[pl.ds(0, _IB)], bufs[0],
                                  sem0).start()

            def block_body(sup, cnt_v):
                for b in range(2):
                    blk = sup * 2 + b
                    pltpu.make_async_copy(
                        idx_hbm.at[pl.ds(blk * _IB, _IB)], bufs[b],
                        sems[b]).wait()

                    @pl.when(blk + 1 < _NBLK)
                    def _prefetch():
                        pltpu.make_async_copy(
                            idx_hbm.at[pl.ds((blk + 1) * _IB, _IB)],
                            bufs[1 - b], sems[1 - b]).start()

                    pbase = iota + blk * _IB

                    def scan_group(u, cnt_v):
                        for j in range(4):
                            off = u * 64 + j * 16
                            iv = bufs[b][pl.ds(off, 16)]
                            rel = iv - lo
                            m = (plsc.bitcast(rel, jnp.uint32)
                                 < jnp.uint32(_CH))
                            pc = plsc.all_reduce_population_count(m)
                            csum = plsc.cumsum(m.astype(jnp.int32))
                            pos = jnp.maximum(cnt_v + csum - 1, 0)
                            plsc.store_scatter(plist, [pos], pbase + off,
                                               mask=m)
                            plsc.store_scatter(rlist, [pos], rel, mask=m)
                            cnt_v = cnt_v + pc
                        return cnt_v

                    cnt_v = lax.fori_loop(0, _IB // 64, scan_group, cnt_v)

                    cs = cnt_v[0]


                    cnt_v = jnp.where(cs >= _DRAIN, zeros16, cnt_v)
                return cnt_v

            cnt_v = lax.fori_loop(0, _NBLK // 2, block_body, zeros16)
            cs = cnt_v[0]


            pltpu.sync_copy(accf, out_hbm.at[pl.ds(chunk * _ACCW, _ACCW)])

    return scat(y, indices)

# --- scband reference (transcript-rebuilt; emitter-appended) ---
"""Pipeline reference for scband-point-net-module-25400436588648 (READ-ONLY COPY).

The authoritative reference and input builder live on the scoring server;
editing this copy changes nothing except your own understanding.
"""

import jax, jax.numpy as jnp
import numpy as np

N_POINTS = 1600000
N_VERTICES = 100000


def group_norm(x, w, b, groups, eps=1e-5):
    # PyTorch GroupNorm applied to [1, C, N]: stats over (C//G, N) per group
    n, c = x.shape
    xg = x.reshape(n, groups, c // groups)
    mean = jnp.mean(xg, axis=(0, 2), keepdims=True)
    var = jnp.var(xg, axis=(0, 2), keepdims=True)
    xn = (xg - mean) / jnp.sqrt(var + eps)
    return xn.reshape(n, c) * w + b


def setup_inputs(seed: int = 0) -> dict:
    key = jax.random.key(seed)
    ks = jax.random.split(key, 8)
    distributed = jax.random.normal(ks[0], (N_POINTS, 5), dtype=jnp.float32)
    indices = jax.random.randint(ks[1], (N_POINTS,), 0, N_VERTICES, dtype=jnp.int32)
    # layer 0: Linear(4->32, bias=False), kaiming fan_in relu
    W0 = jax.random.normal(ks[2], (4, 32), dtype=jnp.float32) * np.sqrt(2.0 / 4)
    gn0_w = jnp.ones((32,), dtype=jnp.float32)
    gn0_b = jnp.zeros((32,), dtype=jnp.float32)
    # layer 1: Linear(32->32, bias=False)
    W1 = jax.random.normal(ks[3], (32, 32), dtype=jnp.float32) * np.sqrt(2.0 / 32)
    gn1_w = jnp.ones((32,), dtype=jnp.float32)
    gn1_b = jnp.zeros((32,), dtype=jnp.float32)
    # layer 2 (last): Linear(32->64, bias=True)
    W2 = jax.random.normal(ks[4], (32, 64), dtype=jnp.float32) * np.sqrt(2.0 / 32)
    b2 = jnp.zeros((64,), dtype=jnp.float32)
    return {"distributed": distributed, "indices": indices, "W0": W0, "gn0_w": gn0_w,
            "gn0_b": gn0_b, "W1": W1, "gn1_w": gn1_w, "gn1_b": gn1_b, "W2": W2, "b2": b2}


def reference(distributed, indices, W0, gn0_w, gn0_b, W1, gn1_w, gn1_b, W2, b2):
    # barycentric weight in last column (unused in the default 'pointnet' path)
    barycentric_weights = distributed[:, -1]
    x = distributed[:, : distributed.shape[1] - 1]
    # MLP per distributed point: linear -> GN -> relu (GN skipped on last layer)
    x = x @ W0
    x = group_norm(x, gn0_w, gn0_b, 32)
    x = jax.nn.relu(x)
    x = x @ W1
    x = group_norm(x, gn1_w, gn1_b, 32)
    x = jax.nn.relu(x)
    x = x @ W2 + b2
    x = jax.nn.relu(x)
    # indices_long[indices_long < 0] = 0
    idx = jnp.where(indices < 0, 0, indices)
    # per-lattice-vertex max pooling (scatter_max)
    reduced = jax.ops.segment_max(x, idx, num_segments=N_VERTICES)
    reduced = jnp.where(jnp.isneginf(reduced), 0.0, reduced)
    return reduced

if __name__ == "__main__":
    import jax
    _d = setup_inputs()
    print(jax.jit(kernel)(*tuple(_d.values())))

</pallas_src>

<mosaic_0001>
#map = affine_map<(d0, d1) -> (0, 0)>
#map1 = affine_map<(d0, d1) -> (0)>
module attributes {stable_mosaic.version = 14 : i64} {
  func.func @scat(%arg0: i32, %arg1: i32, %arg2: memref<1600000x64xf32, #tpu.memory_space<hbm>>, %arg3: memref<1600000xi32, #tpu.memory_space<hbm>>, %arg4: memref<6422528xf32, #tpu.memory_space<hbm>>, %arg5: memref<100352xf32, #tpu.memory_space<vmem>>, %arg6: memref<3200xi32, #tpu.memory_space<vmem>>, %arg7: memref<3200xi32, #tpu.memory_space<vmem>>, %arg8: memref<5280xi32, #tpu.memory_space<vmem>>, %arg9: memref<5280xi32, #tpu.memory_space<vmem>>, %arg10: memref<128x64xf32, #tpu.memory_space<vmem>>, %arg11: memref<!tpu.dma_semaphore, #tpu.memory_space<semaphore_mem>>, %arg12: memref<!tpu.dma_semaphore, #tpu.memory_space<semaphore_mem>>) attributes {dimension_semantics = [#tpu.dimension_semantics<core_parallel>, #tpu.dimension_semantics<subcore_parallel>], iteration_bounds = array<i64: 2, 16>, scalar_prefetch = 0 : i64, scratch_operands = 8 : i64, tpu.core_type = #tpu.core_type<sc_vector_subcore>, window_params = [{transform_indices = #map}, {transform_indices = #map1}, {transform_indices = #map1}]} {
    %mul3A = arith.constant 2 : i32
    %mul3A_0 = arith.muli %arg1, %mul3A : i32
    %add3A = arith.addi %mul3A_0, %arg0 : i32
    %iota3A = tpu.iota {dimensions = array<i32: 0>} : vector<16xi32>
    %broadcast_in_dim3A = arith.constant 0 : i32
    %broadcast_in_dim3A_1 = vector.broadcast %broadcast_in_dim3A : i32 to vector<16xi32>
    %add3A_2 = arith.constant 0 : i32
    %add3A_3 = arith.addi %add3A, %add3A_2 : i32
    %mul3A_4 = arith.constant 1568 : i32
    %mul3A_5 = arith.muli %add3A_3, %mul3A_4 : i32
    %scan3A = arith.constant 0 : i32
    %scan3A_6 = arith.constant 0 : i32
    %scan3A_7 = arith.constant 6272 : i32
    %scan3A_8 = arith.addi %scan3A_6, %scan3A_7 : i32
    %scan3A_9 = arith.constant 1 : i32
    %scan3A_10 = scf.for %scan3A_62 = %scan3A_6 to %scan3A_8 step %scan3A_9 iter_args(%scan3A_63 = %scan3A) -> (i32)  : i32 {
      %broadcast_in_dim3A_64 = arith.constant 0.000000e+00 : f32
      %broadcast_in_dim3A_65 = vector.broadcast %broadcast_in_dim3A_64 : f32 to vector<16xf32>
      %mul3A_66 = arith.constant 16 : i32
      %mul3A_67 = arith.muli %scan3A_62, %mul3A_66 : i32
      %swap3A = arith.index_cast %mul3A_67 : i32 to index
      %swap3A_68 = tpu.vector_load %arg5[%swap3A] {strides = array<i32>} : memref<100352xf32, #tpu.memory_space<vmem>>, vector<16xf32>,
      tpu.vector_store %arg5[%swap3A], %broadcast_in_dim3A_65 {strides = array<i32>} : memref<100352xf32, #tpu.memory_space<vmem>>, vector<16xf32>,
      %scan3A_69 = arith.constant 0 : i32
      scf.yield %scan3A_69 : i32
    }
    %scan3A_11 = arith.constant 6272 : i32
    %scan3A_12 = arith.constant 0 : i32
    %scan3A_13 = arith.constant 0 : i32
    %scan3A_14 = arith.constant 330 : i32
    %scan3A_15 = arith.addi %scan3A_13, %scan3A_14 : i32
    %scan3A_16 = arith.constant 1 : i32
    %scan3A_17 = scf.for %scan3A_62 = %scan3A_13 to %scan3A_15 step %scan3A_16 iter_args(%scan3A_63 = %scan3A_12) -> (i32)  : i32 {
      %mul3A_64 = arith.constant 16 : i32
      %mul3A_65 = arith.muli %scan3A_62, %mul3A_64 : i32
      %swap3A = arith.index_cast %mul3A_65 : i32 to index
      %swap3A_66 = tpu.vector_load %arg8[%swap3A] {strides = array<i32>} : memref<5280xi32, #tpu.memory_space<vmem>>, vector<16xi32>,
      tpu.vector_store %arg8[%swap3A], %broadcast_in_dim3A_1 {strides = array<i32>} : memref<5280xi32, #tpu.memory_space<vmem>>, vector<16xi32>,
      %scan3A_67 = arith.constant 0 : i32
      scf.yield %scan3A_67 : i32
    }
    %scan3A_18 = arith.constant 330 : i32
    %dma_start3A = arith.constant 0 : i32
    %dma_start3A_19 = tpu.memref_slice %arg3[%dma_start3A] : memref<1600000xi32, #tpu.memory_space<hbm>> -> memref<3200xi32, #tpu.memory_space<hbm>>
    %dma_start3A_20 = arith.constant 0 : i32
    %dma_start3A_21 = tpu.memref_slice %arg3[%dma_start3A_20] : memref<1600000xi32, #tpu.memory_space<hbm>> -> memref<3200xi32, #tpu.memory_space<hbm>>
    tpu.enqueue_dma source(%dma_start3A_21 : memref<3200xi32, #tpu.memory_space<hbm>>) target(%arg6 : memref<3200xi32, #tpu.memory_space<vmem>>) target_semaphore(%arg11 : memref<!tpu.dma_semaphore, #tpu.memory_space<semaphore_mem>>)
    %scan3A_22 = arith.constant 0 : i32
    %scan3A_23 = arith.constant 250 : i32
    %scan3A_24 = arith.addi %scan3A_22, %scan3A_23 : i32
    %scan3A_25 = arith.constant 1 : i32
    %scan3A_26 = scf.for %scan3A_62 = %scan3A_22 to %scan3A_24 step %scan3A_25 iter_args(%scan3A_63 = %broadcast_in_dim3A_1) -> (vector<16xi32>)  : i32 {
      %mul3A_64 = arith.constant 2 : i32
      %mul3A_65 = arith.muli %scan3A_62, %mul3A_64 : i32
      %add3A_66 = arith.constant 0 : i32
      %add3A_67 = arith.addi %mul3A_65, %add3A_66 : i32
      %mul3A_68 = arith.constant 3200 : i32
      %mul3A_69 = arith.muli %add3A_67, %mul3A_68 : i32
      %dma_wait3A = tpu.memref_slice %arg3[%mul3A_69] : memref<1600000xi32, #tpu.memory_space<hbm>> -> memref<3200xi32, #tpu.memory_space<hbm>>
      %dma_wait3A_70 = tpu.memref_slice %arg3[%mul3A_69] : memref<1600000xi32, #tpu.memory_space<hbm>> -> memref<3200xi32, #tpu.memory_space<hbm>>
      tpu.wait_dma2 semaphore(%arg11 : memref<!tpu.dma_semaphore, #tpu.memory_space<semaphore_mem>>) src(%dma_wait3A_70 : memref<3200xi32, #tpu.memory_space<hbm>>) dst(%arg6 : memref<3200xi32, #tpu.memory_space<vmem>>)
      %add3A_71 = arith.constant 1 : i32
      %add3A_72 = arith.addi %add3A_67, %add3A_71 : i32
      %lt3A = arith.constant 500 : i32
      %lt3A_73 = arith.cmpi slt, %add3A_72, %lt3A : i32
      %convert_element_type3A = arith.extui %lt3A_73 : i1 to i32
      %cond3A = arith.constant 0 : i32
      %cond3A_74 = arith.cmpi ne, %convert_element_type3A, %cond3A : i32
      scf.if %cond3A_74 {
        %add3A_118 = arith.constant 1 : i32
        %add3A_119 = arith.addi %add3A_67, %add3A_118 : i32
        %mul3A_120 = arith.constant 3200 : i32
        %mul3A_121 = arith.muli %add3A_119, %mul3A_120 : i32
        %dma_start3A_122 = tpu.memref_slice %arg3[%mul3A_121] : memref<1600000xi32, #tpu.memory_space<hbm>> -> memref<3200xi32, #tpu.memory_space<hbm>>
        %dma_start3A_123 = tpu.memref_slice %arg3[%mul3A_121] : memref<1600000xi32, #tpu.memory_space<hbm>> -> memref<3200xi32, #tpu.memory_space<hbm>>
        tpu.enqueue_dma source(%dma_start3A_123 : memref<3200xi32, #tpu.memory_space<hbm>>) target(%arg7 : memref<3200xi32, #tpu.memory_space<vmem>>) target_semaphore(%arg12 : memref<!tpu.dma_semaphore, #tpu.memory_space<semaphore_mem>>)
      } else {
      }
      %mul3A_75 = arith.constant 3200 : i32
      %mul3A_76 = arith.muli %add3A_67, %mul3A_75 : i32
      %add3A_77 = vector.broadcast %mul3A_76 : i32 to vector<16xi32>
      %add3A_78 = arith.addi %iota3A, %add3A_77 : vector<16xi32>
      %scan3A_79 = arith.constant 0 : i32
      %scan3A_80 = arith.constant 50 : i32
      %scan3A_81 = arith.addi %scan3A_79, %scan3A_80 : i32
      %scan3A_82 = arith.constant 1 : i32
      %scan3A_83 = scf.for %scan3A_118 = %scan3A_79 to %scan3A_81 step %scan3A_82 iter_args(%scan3A_119 = %scan3A_63) -> (vector<16xi32>)  : i32 {
        %mul3A_120 = arith.constant 64 : i32
        %mul3A_121 = arith.muli %scan3A_118, %mul3A_120 : i32
        %add3A_122 = arith.constant 0 : i32
        %add3A_123 = arith.addi %mul3A_121, %add3A_122 : i32
        %get3A = arith.index_cast %add3A_123 : i32 to index
        %get3A_124 = tpu.vector_load %arg6[%get3A] {strides = array<i32>} : memref<3200xi32, #tpu.memory_space<vmem>>, vector<16xi32>,
        %sub3A = vector.broadcast %mul3A_5 : i32 to vector<16xi32>
        %sub3A_125 = arith.subi %get3A_124, %sub3A : vector<16xi32>
        %bitcast3A = vector.bitcast %sub3A_125 : vector<16xi32> to vector<16xi32>
        %lt3A_126 = arith.constant 1568 : i32
        %lt3A_127 = vector.broadcast %lt3A_126 : i32 to vector<16xi32>
        %lt3A_128 = arith.cmpi ult, %bitcast3A, %lt3A_127 : vector<16xi32>
        %all_reduce_population_count3A = tpu.all_reduce %lt3A_128 {dim = 0 : i64, kind = #tpu.reduction_kind<sum>} : vector<16xi1> -> vector<16xi32>
        %convert_element_type3A_129 = arith.extui %lt3A_128 : vector<16xi1> to vector<16xi32>
        %broadcast_in_dim3A_130 = arith.constant true
        %broadcast_in_dim3A_131 = vector.broadcast %broadcast_in_dim3A_130 : i1 to vector<16xi1>
        %masked_cumsum3A = tpu.scan <sum>, %convert_element_type3A_129 masked %broadcast_in_dim3A_131 : vector<16xi32>, vector<16xi1> -> vector<16xi32>
        %add3A_132 = arith.addi %scan3A_119, %masked_cumsum3A : vector<16xi32>
        %sub3A_133 = arith.constant 1 : i32
        %sub3A_134 = vector.broadcast %sub3A_133 : i32 to vector<16xi32>
        %sub3A_135 = arith.subi %add3A_132, %sub3A_134 : vector<16xi32>
        %max3A = arith.constant 0 : i32
        %max3A_136 = vector.broadcast %max3A : i32 to vector<16xi32>
        %max3A_137 = arith.maxsi %sub3A_135, %max3A_136 : vector<16xi32>
        %add3A_138 = vector.broadcast %add3A_123 : i32 to vector<16xi32>
        %add3A_139 = arith.addi %add3A_78, %add3A_138 : vector<16xi32>
        tpu.vector_store_idx %arg8[%max3A_137], %add3A_139 masked %lt3A_128 : memref<5280xi32, #tpu.memory_space<vmem>>[vector<16xi32>], vector<16xi32>, vector<16xi1>
        tpu.vector_store_idx %arg9[%max3A_137], %sub3A_125 masked %lt3A_128 : memref<5280xi32, #tpu.memory_space<vmem>>[vector<16xi32>], vector<16xi32>, vector<16xi1>
        %add3A_140 = arith.addi %scan3A_119, %all_reduce_population_count3A : vector<16xi32>
        %mul3A_141 = arith.constant 64 : i32
        %mul3A_142 = arith.muli %scan3A_118, %mul3A_141 : i32
        %add3A_143 = arith.constant 16 : i32
        %add3A_144 = arith.addi %mul3A_142, %add3A_143 : i32
        %get3A_145 = arith.index_cast %add3A_144 : i32 to index
        %get3A_146 = tpu.vector_load %arg6[%get3A_145] {strides = array<i32>} : memref<3200xi32, #tpu.memory_space<vmem>>, vector<16xi32>,
        %sub3A_147 = vector.broadcast %mul3A_5 : i32 to vector<16xi32>
        %sub3A_148 = arith.subi %get3A_146, %sub3A_147 : vector<16xi32>
        %bitcast3A_149 = vector.bitcast %sub3A_148 : vector<16xi32> to vector<16xi32>
        %lt3A_150 = arith.constant 1568 : i32
        %lt3A_151 = vector.broadcast %lt3A_150 : i32 to vector<16xi32>
        %lt3A_152 = arith.cmpi ult, %bitcast3A_149, %lt3A_151 : vector<16xi32>
        %all_reduce_population_count3A_153 = tpu.all_reduce %lt3A_152 {dim = 0 : i64, kind = #tpu.reduction_kind<sum>} : vector<16xi1> -> vector<16xi32>
        %convert_element_type3A_154 = arith.extui %lt3A_152 : vector<16xi1> to vector<16xi32>
        %broadcast_in_dim3A_155 = arith.constant true
        %broadcast_in_dim3A_156 = vector.broadcast %broadcast_in_dim3A_155 : i1 to vector<16xi1>
        %masked_cumsum3A_157 = tpu.scan <sum>, %convert_element_type3A_154 masked %broadcast_in_dim3A_156 : vector<16xi32>, vector<16xi1> -> vector<16xi32>
        %add3A_158 = arith.addi %add3A_140, %masked_cumsum3A_157 : vector<16xi32>
        %sub3A_159 = arith.constant 1 : i32
        %sub3A_160 = vector.broadcast %sub3A_159 : i32 to vector<16xi32>
        %sub3A_161 = arith.subi %add3A_158, %sub3A_160 : vector<16xi32>
        %max3A_162 = arith.constant 0 : i32
        %max3A_163 = vector.broadcast %max3A_162 : i32 to vector<16xi32>
        %max3A_164 = arith.maxsi %sub3A_161, %max3A_163 : vector<16xi32>
        %add3A_165 = vector.broadcast %add3A_144 : i32 to vector<16xi32>
        %add3A_166 = arith.addi %add3A_78, %add3A_165 : vector<16xi32>
        tpu.vector_store_idx %arg8[%max3A_164], %add3A_166 masked %lt3A_152 : memref<5280xi32, #tpu.memory_space<vmem>>[vector<16xi32>], vector<16xi32>, vector<16xi1>
        tpu.vector_store_idx %arg9[%max3A_164], %sub3A_148 masked %lt3A_152 : memref<5280xi32, #tpu.memory_space<vmem>>[vector<16xi32>], vector<16xi32>, vector<16xi1>
        %add3A_167 = arith.addi %add3A_140, %all_reduce_population_count3A_153 : vector<16xi32>
        %mul3A_168 = arith.constant 64 : i32
        %mul3A_169 = arith.muli %scan3A_118, %mul3A_168 : i32
        %add3A_170 = arith.constant 32 : i32
        %add3A_171 = arith.addi %mul3A_169, %add3A_170 : i32
        %get3A_172 = arith.index_cast %add3A_171 : i32 to index
        %get3A_173 = tpu.vector_load %arg6[%get3A_172] {strides = array<i32>} : memref<3200xi32, #tpu.memory_space<vmem>>, vector<16xi32>,
        %sub3A_174 = vector.broadcast %mul3A_5 : i32 to vector<16xi32>
        %sub3A_175 = arith.subi %get3A_173, %sub3A_174 : vector<16xi32>
        %bitcast3A_176 = vector.bitcast %sub3A_175 : vector<16xi32> to vector<16xi32>
        %lt3A_177 = arith.constant 1568 : i32
        %lt3A_178 = vector.broadcast %lt3A_177 : i32 to vector<16xi32>
        %lt3A_179 = arith.cmpi ult, %bitcast3A_176, %lt3A_178 : vector<16xi32>
        %all_reduce_population_count3A_180 = tpu.all_reduce %lt3A_179 {dim = 0 : i64, kind = #tpu.reduction_kind<sum>} : vector<16xi1> -> vector<16xi32>
        %convert_element_type3A_181 = arith.extui %lt3A_179 : vector<16xi1> to vector<16xi32>
        %broadcast_in_dim3A_182 = arith.constant true
        %broadcast_in_dim3A_183 = vector.broadcast %broadcast_in_dim3A_182 : i1 to vector<16xi1>
        %masked_cumsum3A_184 = tpu.scan <sum>, %convert_element_type3A_181 masked %broadcast_in_dim3A_183 : vector<16xi32>, vector<16xi1> -> vector<16xi32>
        %add3A_185 = arith.addi %add3A_167, %masked_cumsum3A_184 : vector<16xi32>
        %sub3A_186 = arith.constant 1 : i32
        %sub3A_187 = vector.broadcast %sub3A_186 : i32 to vector<16xi32>
        %sub3A_188 = arith.subi %add3A_185, %sub3A_187 : vector<16xi32>
        %max3A_189 = arith.constant 0 : i32
        %max3A_190 = vector.broadcast %max3A_189 : i32 to vector<16xi32>
        %max3A_191 = arith.maxsi %sub3A_188, %max3A_190 : vector<16xi32>
        %add3A_192 = vector.broadcast %add3A_171 : i32 to vector<16xi32>
        %add3A_193 = arith.addi %add3A_78, %add3A_192 : vector<16xi32>
        tpu.vector_store_idx %arg8[%max3A_191], %add3A_193 masked %lt3A_179 : memref<5280xi32, #tpu.memory_space<vmem>>[vector<16xi32>], vector<16xi32>, vector<16xi1>
        tpu.vector_store_idx %arg9[%max3A_191], %sub3A_175 masked %lt3A_179 : memref<5280xi32, #tpu.memory_space<vmem>>[vector<16xi32>], vector<16xi32>, vector<16xi1>
        %add3A_194 = arith.addi %add3A_167, %all_reduce_population_count3A_180 : vector<16xi32>
        %mul3A_195 = arith.constant 64 : i32
        %mul3A_196 = arith.muli %scan3A_118, %mul3A_195 : i32
        %add3A_197 = arith.constant 48 : i32
        %add3A_198 = arith.addi %mul3A_196, %add3A_197 : i32
        %get3A_199 = arith.index_cast %add3A_198 : i32 to index
        %get3A_200 = tpu.vector_load %arg6[%get3A_199] {strides = array<i32>} : memref<3200xi32, #tpu.memory_space<vmem>>, vector<16xi32>,
        %sub3A_201 = vector.broadcast %mul3A_5 : i32 to vector<16xi32>
        %sub3A_202 = arith.subi %get3A_200, %sub3A_201 : vector<16xi32>
        %bitcast3A_203 = vector.bitcast %sub3A_202 : vector<16xi32> to vector<16xi32>
        %lt3A_204 = arith.constant 1568 : i32
        %lt3A_205 = vector.broadcast %lt3A_204 : i32 to vector<16xi32>
        %lt3A_206 = arith.cmpi ult, %bitcast3A_203, %lt3A_205 : vector<16xi32>
        %all_reduce_population_count3A_207 = tpu.all_reduce %lt3A_206 {dim = 0 : i64, kind = #tpu.reduction_kind<sum>} : vector<16xi1> -> vector<16xi32>
        %convert_element_type3A_208 = arith.extui %lt3A_206 : vector<16xi1> to vector<16xi32>
        %broadcast_in_dim3A_209 = arith.constant true
        %broadcast_in_dim3A_210 = vector.broadcast %broadcast_in_dim3A_209 : i1 to vector<16xi1>
        %masked_cumsum3A_211 = tpu.scan <sum>, %convert_element_type3A_208 masked %broadcast_in_dim3A_210 : vector<16xi32>, vector<16xi1> -> vector<16xi32>
        %add3A_212 = arith.addi %add3A_194, %masked_cumsum3A_211 : vector<16xi32>
        %sub3A_213 = arith.constant 1 : i32
        %sub3A_214 = vector.broadcast %sub3A_213 : i32 to vector<16xi32>
        %sub3A_215 = arith.subi %add3A_212, %sub3A_214 : vector<16xi32>
        %max3A_216 = arith.constant 0 : i32
        %max3A_217 = vector.broadcast %max3A_216 : i32 to vector<16xi32>
        %max3A_218 = arith.maxsi %sub3A_215, %max3A_217 : vector<16xi32>
        %add3A_219 = vector.broadcast %add3A_198 : i32 to vector<16xi32>
        %add3A_220 = arith.addi %add3A_78, %add3A_219 : vector<16xi32>
        tpu.vector_store_idx %arg8[%max3A_218], %add3A_220 masked %lt3A_206 : memref<5280xi32, #tpu.memory_space<vmem>>[vector<16xi32>], vector<16xi32>, vector<16xi1>
        tpu.vector_store_idx %arg9[%max3A_218], %sub3A_202 masked %lt3A_206 : memref<5280xi32, #tpu.memory_space<vmem>>[vector<16xi32>], vector<16xi32>, vector<16xi1>
        %add3A_221 = arith.addi %add3A_194, %all_reduce_population_count3A_207 : vector<16xi32>
        scf.yield %add3A_221 : vector<16xi32>
      }
      %scan3A_84 = arith.constant 50 : i32
      %slice3A_85 = vector.extract_strided_slice %scan3A_83 {offsets = [0], sizes = [1], strides = [1]} : vector<16xi32> to vector<1xi32>
      %squeeze3A_86 = vector.extract %slice3A_85[0] : i32 from vector<1xi32>
      %ge3A = arith.constant 2048 : i32
      %ge3A_87 = arith.cmpi sge, %squeeze3A_86, %ge3A : i32
      %select_n3A = arith.select %ge3A_87, %broadcast_in_dim3A_1, %scan3A_83 : vector<16xi32>
      %mul3A_88 = arith.constant 2 : i32
      %mul3A_89 = arith.muli %scan3A_62, %mul3A_88 : i32
      %add3A_90 = arith.constant 1 : i32
      %add3A_91 = arith.addi %mul3A_89, %add3A_90 : i32
      %mul3A_92 = arith.constant 3200 : i32
      %mul3A_93 = arith.muli %add3A_91, %mul3A_92 : i32
      %dma_wait3A_94 = tpu.memref_slice %arg3[%mul3A_93] : memref<1600000xi32, #tpu.memory_space<hbm>> -> memref<3200xi32, #tpu.memory_space<hbm>>
      %dma_wait3A_95 = tpu.memref_slice %arg3[%mul3A_93] : memref<1600000xi32, #tpu.memory_space<hbm>> -> memref<3200xi32, #tpu.memory_space<hbm>>
      tpu.wait_dma2 semaphore(%arg12 : memref<!tpu.dma_semaphore, #tpu.memory_space<semaphore_mem>>) src(%dma_wait3A_95 : memref<3200xi32, #tpu.memory_space<hbm>>) dst(%arg7 : memref<3200xi32, #tpu.memory_space<vmem>>)
      %add3A_96 = arith.constant 1 : i32
      %add3A_97 = arith.addi %add3A_91, %add3A_96 : i32
      %lt3A_98 = arith.constant 500 : i32
      %lt3A_99 = arith.cmpi slt, %add3A_97, %lt3A_98 : i32
      %convert_element_type3A_100 = arith.extui %lt3A_99 : i1 to i32
      %cond3A_101 = arith.constant 0 : i32
      %cond3A_102 = arith.cmpi ne, %convert_element_type3A_100, %cond3A_101 : i32
      scf.if %cond3A_102 {
        %add3A_118 = arith.constant 1 : i32
        %add3A_119 = arith.addi %add3A_91, %add3A_118 : i32
        %mul3A_120 = arith.constant 3200 : i32
        %mul3A_121 = arith.muli %add3A_119, %mul3A_120 : i32
        %dma_start3A_122 = tpu.memref_slice %arg3[%mul3A_121] : memref<1600000xi32, #tpu.memory_space<hbm>> -> memref<3200xi32, #tpu.memory_space<hbm>>
        %dma_start3A_123 = tpu.memref_slice %arg3[%mul3A_121] : memref<1600000xi32, #tpu.memory_space<hbm>> -> memref<3200xi32, #tpu.memory_space<hbm>>
        tpu.enqueue_dma source(%dma_start3A_123 : memref<3200xi32, #tpu.memory_space<hbm>>) target(%arg6 : memref<3200xi32, #tpu.memory_space<vmem>>) target_semaphore(%arg11 : memref<!tpu.dma_semaphore, #tpu.memory_space<semaphore_mem>>)
      } else {
      }
      %mul3A_103 = arith.constant 3200 : i32
      %mul3A_104 = arith.muli %add3A_91, %mul3A_103 : i32
      %add3A_105 = vector.broadcast %mul3A_104 : i32 to vector<16xi32>
      %add3A_106 = arith.addi %iota3A, %add3A_105 : vector<16xi32>
      %scan3A_107 = arith.constant 0 : i32
      %scan3A_108 = arith.constant 50 : i32
      %scan3A_109 = arith.addi %scan3A_107, %scan3A_108 : i32
      %scan3A_110 = arith.constant 1 : i32
      %scan3A_111 = scf.for %scan3A_118 = %scan3A_107 to %scan3A_109 step %scan3A_110 iter_args(%scan3A_119 = %select_n3A) -> (vector<16xi32>)  : i32 {
        %mul3A_120 = arith.constant 64 : i32
        %mul3A_121 = arith.muli %scan3A_118, %mul3A_120 : i32
        %add3A_122 = arith.constant 0 : i32
        %add3A_123 = arith.addi %mul3A_121, %add3A_122 : i32
        %get3A = arith.index_cast %add3A_123 : i32 to index
        %get3A_124 = tpu.vector_load %arg7[%get3A] {strides = array<i32>} : memref<3200xi32, #tpu.memory_space<vmem>>, vector<16xi32>,
        %sub3A = vector.broadcast %mul3A_5 : i32 to vector<16xi32>
        %sub3A_125 = arith.subi %get3A_124, %sub3A : vector<16xi32>
        %bitcast3A = vector.bitcast %sub3A_125 : vector<16xi32> to vector<16xi32>
        %lt3A_126 = arith.constant 1568 : i32
        %lt3A_127 = vector.broadcast %lt3A_126 : i32 to vector<16xi32>
        %lt3A_128 = arith.cmpi ult, %bitcast3A, %lt3A_127 : vector<16xi32>
        %all_reduce_population_count3A = tpu.all_reduce %lt3A_128 {dim = 0 : i64, kind = #tpu.reduction_kind<sum>} : vector<16xi1> -> vector<16xi32>
        %convert_element_type3A_129 = arith.extui %lt3A_128 : vector<16xi1> to vector<16xi32>
        %broadcast_in_dim3A_130 = arith.constant true
        %broadcast_in_dim3A_131 = vector.broadcast %broadcast_in_dim3A_130 : i1 to vector<16xi1>
        %masked_cumsum3A = tpu.scan <sum>, %convert_element_type3A_129 masked %broadcast_in_dim3A_131 : vector<16xi32>, vector<16xi1> -> vector<16xi32>
        %add3A_132 = arith.addi %scan3A_119, %masked_cumsum3A : vector<16xi32>
        %sub3A_133 = arith.constant 1 : i32
        %sub3A_134 = vector.broadcast %sub3A_133 : i32 to vector<16xi32>
        %sub3A_135 = arith.subi %add3A_132, %sub3A_134 : vector<16xi32>
        %max3A = arith.constant 0 : i32
        %max3A_136 = vector.broadcast %max3A : i32 to vector<16xi32>
        %max3A_137 = arith.maxsi %sub3A_135, %max3A_136 : vector<16xi32>
        %add3A_138 = vector.broadcast %add3A_123 : i32 to vector<16xi32>
        %add3A_139 = arith.addi %add3A_106, %add3A_138 : vector<16xi32>
        tpu.vector_store_idx %arg8[%max3A_137], %add3A_139 masked %lt3A_128 : memref<5280xi32, #tpu.memory_space<vmem>>[vector<16xi32>], vector<16xi32>, vector<16xi1>
        tpu.vector_store_idx %arg9[%max3A_137], %sub3A_125 masked %lt3A_128 : memref<5280xi32, #tpu.memory_space<vmem>>[vector<16xi32>], vector<16xi32>, vector<16xi1>
        %add3A_140 = arith.addi %scan3A_119, %all_reduce_population_count3A : vector<16xi32>
        %mul3A_141 = arith.constant 64 : i32
        %mul3A_142 = arith.muli %scan3A_118, %mul3A_141 : i32
        %add3A_143 = arith.constant 16 : i32
        %add3A_144 = arith.addi %mul3A_142, %add3A_143 : i32
        %get3A_145 = arith.index_cast %add3A_144 : i32 to index
        %get3A_146 = tpu.vector_load %arg7[%get3A_145] {strides = array<i32>} : memref<3200xi32, #tpu.memory_space<vmem>>, vector<16xi32>,
        %sub3A_147 = vector.broadcast %mul3A_5 : i32 to vector<16xi32>
        %sub3A_148 = arith.subi %get3A_146, %sub3A_147 : vector<16xi32>
        %bitcast3A_149 = vector.bitcast %sub3A_148 : vector<16xi32> to vector<16xi32>
        %lt3A_150 = arith.constant 1568 : i32
        %lt3A_151 = vector.broadcast %lt3A_150 : i32 to vector<16xi32>
        %lt3A_152 = arith.cmpi ult, %bitcast3A_149, %lt3A_151 : vector<16xi32>
        %all_reduce_population_count3A_153 = tpu.all_reduce %lt3A_152 {dim = 0 : i64, kind = #tpu.reduction_kind<sum>} : vector<16xi1> -> vector<16xi32>
        %convert_element_type3A_154 = arith.extui %lt3A_152 : vector<16xi1> to vector<16xi32>
        %broadcast_in_dim3A_155 = arith.constant true
        %broadcast_in_dim3A_156 = vector.broadcast %broadcast_in_dim3A_155 : i1 to vector<16xi1>
        %masked_cumsum3A_157 = tpu.scan <sum>, %convert_element_type3A_154 masked %broadcast_in_dim3A_156 : vector<16xi32>, vector<16xi1> -> vector<16xi32>
        %add3A_158 = arith.addi %add3A_140, %masked_cumsum3A_157 : vector<16xi32>
        %sub3A_159 = arith.constant 1 : i32
        %sub3A_160 = vector.broadcast %sub3A_159 : i32 to vector<16xi32>
        %sub3A_161 = arith.subi %add3A_158, %sub3A_160 : vector<16xi32>
        %max3A_162 = arith.constant 0 : i32
        %max3A_163 = vector.broadcast %max3A_162 : i32 to vector<16xi32>
        %max3A_164 = arith.maxsi %sub3A_161, %max3A_163 : vector<16xi32>
        %add3A_165 = vector.broadcast %add3A_144 : i32 to vector<16xi32>
        %add3A_166 = arith.addi %add3A_106, %add3A_165 : vector<16xi32>
        tpu.vector_store_idx %arg8[%max3A_164], %add3A_166 masked %lt3A_152 : memref<5280xi32, #tpu.memory_space<vmem>>[vector<16xi32>], vector<16xi32>, vector<16xi1>
        tpu.vector_store_idx %arg9[%max3A_164], %sub3A_148 masked %lt3A_152 : memref<5280xi32, #tpu.memory_space<vmem>>[vector<16xi32>], vector<16xi32>, vector<16xi1>
        %add3A_167 = arith.addi %add3A_140, %all_reduce_population_count3A_153 : vector<16xi32>
        %mul3A_168 = arith.constant 64 : i32
        %mul3A_169 = arith.muli %scan3A_118, %mul3A_168 : i32
        %add3A_170 = arith.constant 32 : i32
        %add3A_171 = arith.addi %mul3A_169, %add3A_170 : i32
        %get3A_172 = arith.index_cast %add3A_171 : i32 to index
        %get3A_173 = tpu.vector_load %arg7[%get3A_172] {strides = array<i32>} : memref<3200xi32, #tpu.memory_space<vmem>>, vector<16xi32>,
        %sub3A_174 = vector.broadcast %mul3A_5 : i32 to vector<16xi32>
        %sub3A_175 = arith.subi %get3A_173, %sub3A_174 : vector<16xi32>
        %bitcast3A_176 = vector.bitcast %sub3A_175 : vector<16xi32> to vector<16xi32>
        %lt3A_177 = arith.constant 1568 : i32
        %lt3A_178 = vector.broadcast %lt3A_177 : i32 to vector<16xi32>
        %lt3A_179 = arith.cmpi ult, %bitcast3A_176, %lt3A_178 : vector<16xi32>
        %all_reduce_population_count3A_180 = tpu.all_reduce %lt3A_179 {dim = 0 : i64, kind = #tpu.reduction_kind<sum>} : vector<16xi1> -> vector<16xi32>
        %convert_element_type3A_181 = arith.extui %lt3A_179 : vector<16xi1> to vector<16xi32>
        %broadcast_in_dim3A_182 = arith.constant true
        %broadcast_in_dim3A_183 = vector.broadcast %broadcast_in_dim3A_182 : i1 to vector<16xi1>
        %masked_cumsum3A_184 = tpu.scan <sum>, %convert_element_type3A_181 masked %broadcast_in_dim3A_183 : vector<16xi32>, vector<16xi1> -> vector<16xi32>
        %add3A_185 = arith.addi %add3A_167, %masked_cumsum3A_184 : vector<16xi32>
        %sub3A_186 = arith.constant 1 : i32
        %sub3A_187 = vector.broadcast %sub3A_186 : i32 to vector<16xi32>
        %sub3A_188 = arith.subi %add3A_185, %sub3A_187 : vector<16xi32>
        %max3A_189 = arith.constant 0 : i32
        %max3A_190 = vector.broadcast %max3A_189 : i32 to vector<16xi32>
        %max3A_191 = arith.maxsi %sub3A_188, %max3A_190 : vector<16xi32>
        %add3A_192 = vector.broadcast %add3A_171 : i32 to vector<16xi32>
        %add3A_193 = arith.addi %add3A_106, %add3A_192 : vector<16xi32>
        tpu.vector_store_idx %arg8[%max3A_191], %add3A_193 masked %lt3A_179 : memref<5280xi32, #tpu.memory_space<vmem>>[vector<16xi32>], vector<16xi32>, vector<16xi1>
        tpu.vector_store_idx %arg9[%max3A_191], %sub3A_175 masked %lt3A_179 : memref<5280xi32, #tpu.memory_space<vmem>>[vector<16xi32>], vector<16xi32>, vector<16xi1>
        %add3A_194 = arith.addi %add3A_167, %all_reduce_population_count3A_180 : vector<16xi32>
        %mul3A_195 = arith.constant 64 : i32
        %mul3A_196 = arith.muli %scan3A_118, %mul3A_195 : i32
        %add3A_197 = arith.constant 48 : i32
        %add3A_198 = arith.addi %mul3A_196, %add3A_197 : i32
        %get3A_199 = arith.index_cast %add3A_198 : i32 to index
        %get3A_200 = tpu.vector_load %arg7[%get3A_199] {strides = array<i32>} : memref<3200xi32, #tpu.memory_space<vmem>>, vector<16xi32>,
        %sub3A_201 = vector.broadcast %mul3A_5 : i32 to vector<16xi32>
        %sub3A_202 = arith.subi %get3A_200, %sub3A_201 : vector<16xi32>
        %bitcast3A_203 = vector.bitcast %sub3A_202 : vector<16xi32> to vector<16xi32>
        %lt3A_204 = arith.constant 1568 : i32
        %lt3A_205 = vector.broadcast %lt3A_204 : i32 to vector<16xi32>
        %lt3A_206 = arith.cmpi ult, %bitcast3A_203, %lt3A_205 : vector<16xi32>
        %all_reduce_population_count3A_207 = tpu.all_reduce %lt3A_206 {dim = 0 : i64, kind = #tpu.reduction_kind<sum>} : vector<16xi1> -> vector<16xi32>
        %convert_element_type3A_208 = arith.extui %lt3A_206 : vector<16xi1> to vector<16xi32>
        %broadcast_in_dim3A_209 = arith.constant true
        %broadcast_in_dim3A_210 = vector.broadcast %broadcast_in_dim3A_209 : i1 to vector<16xi1>
        %masked_cumsum3A_211 = tpu.scan <sum>, %convert_element_type3A_208 masked %broadcast_in_dim3A_210 : vector<16xi32>, vector<16xi1> -> vector<16xi32>
        %add3A_212 = arith.addi %add3A_194, %masked_cumsum3A_211 : vector<16xi32>
        %sub3A_213 = arith.constant 1 : i32
        %sub3A_214 = vector.broadcast %sub3A_213 : i32 to vector<16xi32>
        %sub3A_215 = arith.subi %add3A_212, %sub3A_214 : vector<16xi32>
        %max3A_216 = arith.constant 0 : i32
        %max3A_217 = vector.broadcast %max3A_216 : i32 to vector<16xi32>
        %max3A_218 = arith.maxsi %sub3A_215, %max3A_217 : vector<16xi32>
        %add3A_219 = vector.broadcast %add3A_198 : i32 to vector<16xi32>
        %add3A_220 = arith.addi %add3A_106, %add3A_219 : vector<16xi32>
        tpu.vector_store_idx %arg8[%max3A_218], %add3A_220 masked %lt3A_206 : memref<5280xi32, #tpu.memory_space<vmem>>[vector<16xi32>], vector<16xi32>, vector<16xi1>
        tpu.vector_store_idx %arg9[%max3A_218], %sub3A_202 masked %lt3A_206 : memref<5280xi32, #tpu.memory_space<vmem>>[vector<16xi32>], vector<16xi32>, vector<16xi1>
        %add3A_221 = arith.addi %add3A_194, %all_reduce_population_count3A_207 : vector<16xi32>
        scf.yield %add3A_221 : vector<16xi32>
      }
      %scan3A_112 = arith.constant 50 : i32
      %slice3A_113 = vector.extract_strided_slice %scan3A_111 {offsets = [0], sizes = [1], strides = [1]} : vector<16xi32> to vector<1xi32>
      %squeeze3A_114 = vector.extract %slice3A_113[0] : i32 from vector<1xi32>
      %ge3A_115 = arith.constant 2048 : i32
      %ge3A_116 = arith.cmpi sge, %squeeze3A_114, %ge3A_115 : i32
      %select_n3A_117 = arith.select %ge3A_116, %broadcast_in_dim3A_1, %scan3A_111 : vector<16xi32>
      scf.yield %select_n3A_117 : vector<16xi32>
    }
    %scan3A_27 = arith.constant 250 : i32
    %slice3A = vector.extract_strided_slice %scan3A_26 {offsets = [0], sizes = [1], strides = [1]} : vector<16xi32> to vector<1xi32>
    %squeeze3A = vector.extract %slice3A[0] : i32 from vector<1xi32>
    %mul3A_28 = arith.constant 100352 : i32
    %mul3A_29 = arith.muli %add3A_3, %mul3A_28 : i32
    "tpu.region"() ({
      %run_scoped3A = tpu.sem_alloc : memref<!tpu.dma_semaphore, #tpu.memory_space<semaphore_mem>>
      %dma_start3A_62 = tpu.memref_slice %arg4[%mul3A_29] : memref<6422528xf32, #tpu.memory_space<hbm>> -> memref<100352xf32, #tpu.memory_space<hbm>>
      %dma_start3A_63 = tpu.memref_slice %arg4[%mul3A_29] : memref<6422528xf32, #tpu.memory_space<hbm>> -> memref<100352xf32, #tpu.memory_space<hbm>>
      tpu.enqueue_dma source(%arg5 : memref<100352xf32, #tpu.memory_space<vmem>>) target(%dma_start3A_63 : memref<100352xf32, #tpu.memory_space<hbm>>) target_semaphore(%run_scoped3A : memref<!tpu.dma_semaphore, #tpu.memory_space<semaphore_mem>>)
      %dma_wait3A = tpu.memref_slice %arg4[%mul3A_29] : memref<6422528xf32, #tpu.memory_space<hbm>> -> memref<100352xf32, #tpu.memory_space<hbm>>
      %dma_wait3A_64 = tpu.memref_slice %arg4[%mul3A_29] : memref<6422528xf32, #tpu.memory_space<hbm>> -> memref<100352xf32, #tpu.memory_space<hbm>>
      tpu.wait_dma2 semaphore(%run_scoped3A : memref<!tpu.dma_semaphore, #tpu.memory_space<semaphore_mem>>) src(%arg5 : memref<100352xf32, #tpu.memory_space<vmem>>) dst(%dma_wait3A_64 : memref<100352xf32, #tpu.memory_space<hbm>>)
      tpu.yield
    }) : () -> ()
    %add3A_30 = arith.constant 32 : i32
    %add3A_31 = arith.addi %add3A, %add3A_30 : i32
    %mul3A_32 = arith.constant 1568 : i32
    %mul3A_33 = arith.muli %add3A_31, %mul3A_32 : i32
    %scan3A_34 = arith.constant 0 : i32
    %scan3A_35 = arith.constant 0 : i32
    %scan3A_36 = arith.constant 6272 : i32
    %scan3A_37 = arith.addi %scan3A_35, %scan3A_36 : i32
    %scan3A_38 = arith.constant 1 : i32
    %scan3A_39 = scf.for %scan3A_62 = %scan3A_35 to %scan3A_37 step %scan3A_38 iter_args(%scan3A_63 = %scan3A_34) -> (i32)  : i32 {
      %broadcast_in_dim3A_64 = arith.constant 0.000000e+00 : f32
      %broadcast_in_dim3A_65 = vector.broadcast %broadcast_in_dim3A_64 : f32 to vector<16xf32>
      %mul3A_66 = arith.constant 16 : i32
      %mul3A_67 = arith.muli %scan3A_62, %mul3A_66 : i32
      %swap3A = arith.index_cast %mul3A_67 : i32 to index
      %swap3A_68 = tpu.vector_load %arg5[%swap3A] {strides = array<i32>} : memref<100352xf32, #tpu.memory_space<vmem>>, vector<16xf32>,
      tpu.vector_store %arg5[%swap3A], %broadcast_in_dim3A_65 {strides = array<i32>} : memref<100352xf32, #tpu.memory_space<vmem>>, vector<16xf32>,
      %scan3A_69 = arith.constant 0 : i32
      scf.yield %scan3A_69 : i32
    }
    %scan3A_40 = arith.constant 6272 : i32
    %scan3A_41 = arith.constant 0 : i32
    %scan3A_42 = arith.constant 0 : i32
    %scan3A_43 = arith.constant 330 : i32
    %scan3A_44 = arith.addi %scan3A_42, %scan3A_43 : i32
    %scan3A_45 = arith.constant 1 : i32
    %scan3A_46 = scf.for %scan3A_62 = %scan3A_42 to %scan3A_44 step %scan3A_45 iter_args(%scan3A_63 = %scan3A_41) -> (i32)  : i32 {
      %mul3A_64 = arith.constant 16 : i32
      %mul3A_65 = arith.muli %scan3A_62, %mul3A_64 : i32
      %swap3A = arith.index_cast %mul3A_65 : i32 to index
      %swap3A_66 = tpu.vector_load %arg8[%swap3A] {strides = array<i32>} : memref<5280xi32, #tpu.memory_space<vmem>>, vector<16xi32>,
      tpu.vector_store %arg8[%swap3A], %broadcast_in_dim3A_1 {strides = array<i32>} : memref<5280xi32, #tpu.memory_space<vmem>>, vector<16xi32>,
      %scan3A_67 = arith.constant 0 : i32
      scf.yield %scan3A_67 : i32
    }
    %scan3A_47 = arith.constant 330 : i32
    %dma_start3A_48 = arith.constant 0 : i32
    %dma_start3A_49 = tpu.memref_slice %arg3[%dma_start3A_48] : memref<1600000xi32, #tpu.memory_space<hbm>> -> memref<3200xi32, #tpu.memory_space<hbm>>
    %dma_start3A_50 = arith.constant 0 : i32
    %dma_start3A_51 = tpu.memref_slice %arg3[%dma_start3A_50] : memref<1600000xi32, #tpu.memory_space<hbm>> -> memref<3200xi32, #tpu.memory_space<hbm>>
    tpu.enqueue_dma source(%dma_start3A_51 : memref<3200xi32, #tpu.memory_space<hbm>>) target(%arg6 : memref<3200xi32, #tpu.memory_space<vmem>>) target_semaphore(%arg11 : memref<!tpu.dma_semaphore, #tpu.memory_space<semaphore_mem>>)
    %scan3A_52 = arith.constant 0 : i32
    %scan3A_53 = arith.constant 250 : i32
    %scan3A_54 = arith.addi %scan3A_52, %scan3A_53 : i32
    %scan3A_55 = arith.constant 1 : i32
    %scan3A_56 = scf.for %scan3A_62 = %scan3A_52 to %scan3A_54 step %scan3A_55 iter_args(%scan3A_63 = %broadcast_in_dim3A_1) -> (vector<16xi32>)  : i32 {
      %mul3A_64 = arith.constant 2 : i32
      %mul3A_65 = arith.muli %scan3A_62, %mul3A_64 : i32
      %add3A_66 = arith.constant 0 : i32
      %add3A_67 = arith.addi %mul3A_65, %add3A_66 : i32
      %mul3A_68 = arith.constant 3200 : i32
      %mul3A_69 = arith.muli %add3A_67, %mul3A_68 : i32
      %dma_wait3A = tpu.memref_slice %arg3[%mul3A_69] : memref<1600000xi32, #tpu.memory_space<hbm>> -> memref<3200xi32, #tpu.memory_space<hbm>>
      %dma_wait3A_70 = tpu.memref_slice %arg3[%mul3A_69] : memref<1600000xi32, #tpu.memory_space<hbm>> -> memref<3200xi32, #tpu.memory_space<hbm>>
      tpu.wait_dma2 semaphore(%arg11 : memref<!tpu.dma_semaphore, #tpu.memory_space<semaphore_mem>>) src(%dma_wait3A_70 : memref<3200xi32, #tpu.memory_space<hbm>>) dst(%arg6 : memref<3200xi32, #tpu.memory_space<vmem>>)
      %add3A_71 = arith.constant 1 : i32
      %add3A_72 = arith.addi %add3A_67, %add3A_71 : i32
      %lt3A = arith.constant 500 : i32
      %lt3A_73 = arith.cmpi slt, %add3A_72, %lt3A : i32
      %convert_element_type3A = arith.extui %lt3A_73 : i1 to i32
      %cond3A = arith.constant 0 : i32
      %cond3A_74 = arith.cmpi ne, %convert_element_type3A, %cond3A : i32
      scf.if %cond3A_74 {
        %add3A_118 = arith.constant 1 : i32
        %add3A_119 = arith.addi %add3A_67, %add3A_118 : i32
        %mul3A_120 = arith.constant 3200 : i32
        %mul3A_121 = arith.muli %add3A_119, %mul3A_120 : i32
        %dma_start3A_122 = tpu.memref_slice %arg3[%mul3A_121] : memref<1600000xi32, #tpu.memory_space<hbm>> -> memref<3200xi32, #tpu.memory_space<hbm>>
        %dma_start3A_123 = tpu.memref_slice %arg3[%mul3A_121] : memref<1600000xi32, #tpu.memory_space<hbm>> -> memref<3200xi32, #tpu.memory_space<hbm>>
        tpu.enqueue_dma source(%dma_start3A_123 : memref<3200xi32, #tpu.memory_space<hbm>>) target(%arg7 : memref<3200xi32, #tpu.memory_space<vmem>>) target_semaphore(%arg12 : memref<!tpu.dma_semaphore, #tpu.memory_space<semaphore_mem>>)
      } else {
      }
      %mul3A_75 = arith.constant 3200 : i32
      %mul3A_76 = arith.muli %add3A_67, %mul3A_75 : i32
      %add3A_77 = vector.broadcast %mul3A_76 : i32 to vector<16xi32>
      %add3A_78 = arith.addi %iota3A, %add3A_77 : vector<16xi32>
      %scan3A_79 = arith.constant 0 : i32
      %scan3A_80 = arith.constant 50 : i32
      %scan3A_81 = arith.addi %scan3A_79, %scan3A_80 : i32
      %scan3A_82 = arith.constant 1 : i32
      %scan3A_83 = scf.for %scan3A_118 = %scan3A_79 to %scan3A_81 step %scan3A_82 iter_args(%scan3A_119 = %scan3A_63) -> (vector<16xi32>)  : i32 {
        %mul3A_120 = arith.constant 64 : i32
        %mul3A_121 = arith.muli %scan3A_118, %mul3A_120 : i32
        %add3A_122 = arith.constant 0 : i32
        %add3A_123 = arith.addi %mul3A_121, %add3A_122 : i32
        %get3A = arith.index_cast %add3A_123 : i32 to index
        %get3A_124 = tpu.vector_load %arg6[%get3A] {strides = array<i32>} : memref<3200xi32, #tpu.memory_space<vmem>>, vector<16xi32>,
        %sub3A = vector.broadcast %mul3A_33 : i32 to vector<16xi32>
        %sub3A_125 = arith.subi %get3A_124, %sub3A : vector<16xi32>
        %bitcast3A = vector.bitcast %sub3A_125 : vector<16xi32> to vector<16xi32>
        %lt3A_126 = arith.constant 1568 : i32
        %lt3A_127 = vector.broadcast %lt3A_126 : i32 to vector<16xi32>
        %lt3A_128 = arith.cmpi ult, %bitcast3A, %lt3A_127 : vector<16xi32>
        %all_reduce_population_count3A = tpu.all_reduce %lt3A_128 {dim = 0 : i64, kind = #tpu.reduction_kind<sum>} : vector<16xi1> -> vector<16xi32>
        %convert_element_type3A_129 = arith.extui %lt3A_128 : vector<16xi1> to vector<16xi32>
        %broadcast_in_dim3A_130 = arith.constant true
        %broadcast_in_dim3A_131 = vector.broadcast %broadcast_in_dim3A_130 : i1 to vector<16xi1>
        %masked_cumsum3A = tpu.scan <sum>, %convert_element_type3A_129 masked %broadcast_in_dim3A_131 : vector<16xi32>, vector<16xi1> -> vector<16xi32>
        %add3A_132 = arith.addi %scan3A_119, %masked_cumsum3A : vector<16xi32>
        %sub3A_133 = arith.constant 1 : i32
        %sub3A_134 = vector.broadcast %sub3A_133 : i32 to vector<16xi32>
        %sub3A_135 = arith.subi %add3A_132, %sub3A_134 : vector<16xi32>
        %max3A = arith.constant 0 : i32
        %max3A_136 = vector.broadcast %max3A : i32 to vector<16xi32>
        %max3A_137 = arith.maxsi %sub3A_135, %max3A_136 : vector<16xi32>
        %add3A_138 = vector.broadcast %add3A_123 : i32 to vector<16xi32>
        %add3A_139 = arith.addi %add3A_78, %add3A_138 : vector<16xi32>
        tpu.vector_store_idx %arg8[%max3A_137], %add3A_139 masked %lt3A_128 : memref<5280xi32, #tpu.memory_space<vmem>>[vector<16xi32>], vector<16xi32>, vector<16xi1>
        tpu.vector_store_idx %arg9[%max3A_137], %sub3A_125 masked %lt3A_128 : memref<5280xi32, #tpu.memory_space<vmem>>[vector<16xi32>], vector<16xi32>, vector<16xi1>
        %add3A_140 = arith.addi %scan3A_119, %all_reduce_population_count3A : vector<16xi32>
        %mul3A_141 = arith.constant 64 : i32
        %mul3A_142 = arith.muli %scan3A_118, %mul3A_141 : i32
        %add3A_143 = arith.constant 16 : i32
        %add3A_144 = arith.addi %mul3A_142, %add3A_143 : i32
        %get3A_145 = arith.index_cast %add3A_144 : i32 to index
        %get3A_146 = tpu.vector_load %arg6[%get3A_145] {strides = array<i32>} : memref<3200xi32, #tpu.memory_space<vmem>>, vector<16xi32>,
        %sub3A_147 = vector.broadcast %mul3A_33 : i32 to vector<16xi32>
        %sub3A_148 = arith.subi %get3A_146, %sub3A_147 : vector<16xi32>
        %bitcast3A_149 = vector.bitcast %sub3A_148 : vector<16xi32> to vector<16xi32>
        %lt3A_150 = arith.constant 1568 : i32
        %lt3A_151 = vector.broadcast %lt3A_150 : i32 to vector<16xi32>
        %lt3A_152 = arith.cmpi ult, %bitcast3A_149, %lt3A_151 : vector<16xi32>
        %all_reduce_population_count3A_153 = tpu.all_reduce %lt3A_152 {dim = 0 : i64, kind = #tpu.reduction_kind<sum>} : vector<16xi1> -> vector<16xi32>
        %convert_element_type3A_154 = arith.extui %lt3A_152 : vector<16xi1> to vector<16xi32>
        %broadcast_in_dim3A_155 = arith.constant true
        %broadcast_in_dim3A_156 = vector.broadcast %broadcast_in_dim3A_155 : i1 to vector<16xi1>
        %masked_cumsum3A_157 = tpu.scan <sum>, %convert_element_type3A_154 masked %broadcast_in_dim3A_156 : vector<16xi32>, vector<16xi1> -> vector<16xi32>
        %add3A_158 = arith.addi %add3A_140, %masked_cumsum3A_157 : vector<16xi32>
        %sub3A_159 = arith.constant 1 : i32
        %sub3A_160 = vector.broadcast %sub3A_159 : i32 to vector<16xi32>
        %sub3A_161 = arith.subi %add3A_158, %sub3A_160 : vector<16xi32>
        %max3A_162 = arith.constant 0 : i32
        %max3A_163 = vector.broadcast %max3A_162 : i32 to vector<16xi32>
        %max3A_164 = arith.maxsi %sub3A_161, %max3A_163 : vector<16xi32>
        %add3A_165 = vector.broadcast %add3A_144 : i32 to vector<16xi32>
        %add3A_166 = arith.addi %add3A_78, %add3A_165 : vector<16xi32>
        tpu.vector_store_idx %arg8[%max3A_164], %add3A_166 masked %lt3A_152 : memref<5280xi32, #tpu.memory_space<vmem>>[vector<16xi32>], vector<16xi32>, vector<16xi1>
        tpu.vector_store_idx %arg9[%max3A_164], %sub3A_148 masked %lt3A_152 : memref<5280xi32, #tpu.memory_space<vmem>>[vector<16xi32>], vector<16xi32>, vector<16xi1>
        %add3A_167 = arith.addi %add3A_140, %all_reduce_population_count3A_153 : vector<16xi32>
        %mul3A_168 = arith.constant 64 : i32
        %mul3A_169 = arith.muli %scan3A_118, %mul3A_168 : i32
        %add3A_170 = arith.constant 32 : i32
        %add3A_171 = arith.addi %mul3A_169, %add3A_170 : i32
        %get3A_172 = arith.index_cast %add3A_171 : i32 to index
        %get3A_173 = tpu.vector_load %arg6[%get3A_172] {strides = array<i32>} : memref<3200xi32, #tpu.memory_space<vmem>>, vector<16xi32>,
        %sub3A_174 = vector.broadcast %mul3A_33 : i32 to vector<16xi32>
        %sub3A_175 = arith.subi %get3A_173, %sub3A_174 : vector<16xi32>
        %bitcast3A_176 = vector.bitcast %sub3A_175 : vector<16xi32> to vector<16xi32>
        %lt3A_177 = arith.constant 1568 : i32
        %lt3A_178 = vector.broadcast %lt3A_177 : i32 to vector<16xi32>
        %lt3A_179 = arith.cmpi ult, %bitcast3A_176, %lt3A_178 : vector<16xi32>
        %all_reduce_population_count3A_180 = tpu.all_reduce %lt3A_179 {dim = 0 : i64, kind = #tpu.reduction_kind<sum>} : vector<16xi1> -> vector<16xi32>
        %convert_element_type3A_181 = arith.extui %lt3A_179 : vector<16xi1> to vector<16xi32>
        %broadcast_in_dim3A_182 = arith.constant true
        %broadcast_in_dim3A_183 = vector.broadcast %broadcast_in_dim3A_182 : i1 to vector<16xi1>
        %masked_cumsum3A_184 = tpu.scan <sum>, %convert_element_type3A_181 masked %broadcast_in_dim3A_183 : vector<16xi32>, vector<16xi1> -> vector<16xi32>
        %add3A_185 = arith.addi %add3A_167, %masked_cumsum3A_184 : vector<16xi32>
        %sub3A_186 = arith.constant 1 : i32
        %sub3A_187 = vector.broadcast %sub3A_186 : i32 to vector<16xi32>
        %sub3A_188 = arith.subi %add3A_185, %sub3A_187 : vector<16xi32>
        %max3A_189 = arith.constant 0 : i32
        %max3A_190 = vector.broadcast %max3A_189 : i32 to vector<16xi32>
        %max3A_191 = arith.maxsi %sub3A_188, %max3A_190 : vector<16xi32>
        %add3A_192 = vector.broadcast %add3A_171 : i32 to vector<16xi32>
        %add3A_193 = arith.addi %add3A_78, %add3A_192 : vector<16xi32>
        tpu.vector_store_idx %arg8[%max3A_191], %add3A_193 masked %lt3A_179 : memref<5280xi32, #tpu.memory_space<vmem>>[vector<16xi32>], vector<16xi32>, vector<16xi1>
        tpu.vector_store_idx %arg9[%max3A_191], %sub3A_175 masked %lt3A_179 : memref<5280xi32, #tpu.memory_space<vmem>>[vector<16xi32>], vector<16xi32>, vector<16xi1>
        %add3A_194 = arith.addi %add3A_167, %all_reduce_population_count3A_180 : vector<16xi32>
        %mul3A_195 = arith.constant 64 : i32
        %mul3A_196 = arith.muli %scan3A_118, %mul3A_195 : i32
        %add3A_197 = arith.constant 48 : i32
        %add3A_198 = arith.addi %mul3A_196, %add3A_197 : i32
        %get3A_199 = arith.index_cast %add3A_198 : i32 to index
        %get3A_200 = tpu.vector_load %arg6[%get3A_199] {strides = array<i32>} : memref<3200xi32, #tpu.memory_space<vmem>>, vector<16xi32>,
        %sub3A_201 = vector.broadcast %mul3A_33 : i32 to vector<16xi32>
        %sub3A_202 = arith.subi %get3A_200, %sub3A_201 : vector<16xi32>
        %bitcast3A_203 = vector.bitcast %sub3A_202 : vector<16xi32> to vector<16xi32>
        %lt3A_204 = arith.constant 1568 : i32
        %lt3A_205 = vector.broadcast %lt3A_204 : i32 to vector<16xi32>
        %lt3A_206 = arith.cmpi ult, %bitcast3A_203, %lt3A_205 : vector<16xi32>
        %all_reduce_population_count3A_207 = tpu.all_reduce %lt3A_206 {dim = 0 : i64, kind = #tpu.reduction_kind<sum>} : vector<16xi1> -> vector<16xi32>
        %convert_element_type3A_208 = arith.extui %lt3A_206 : vector<16xi1> to vector<16xi32>
        %broadcast_in_dim3A_209 = arith.constant true
        %broadcast_in_dim3A_210 = vector.broadcast %broadcast_in_dim3A_209 : i1 to vector<16xi1>
        %masked_cumsum3A_211 = tpu.scan <sum>, %convert_element_type3A_208 masked %broadcast_in_dim3A_210 : vector<16xi32>, vector<16xi1> -> vector<16xi32>
        %add3A_212 = arith.addi %add3A_194, %masked_cumsum3A_211 : vector<16xi32>
        %sub3A_213 = arith.constant 1 : i32
        %sub3A_214 = vector.broadcast %sub3A_213 : i32 to vector<16xi32>
        %sub3A_215 = arith.subi %add3A_212, %sub3A_214 : vector<16xi32>
        %max3A_216 = arith.constant 0 : i32
        %max3A_217 = vector.broadcast %max3A_216 : i32 to vector<16xi32>
        %max3A_218 = arith.maxsi %sub3A_215, %max3A_217 : vector<16xi32>
        %add3A_219 = vector.broadcast %add3A_198 : i32 to vector<16xi32>
        %add3A_220 = arith.addi %add3A_78, %add3A_219 : vector<16xi32>
        tpu.vector_store_idx %arg8[%max3A_218], %add3A_220 masked %lt3A_206 : memref<5280xi32, #tpu.memory_space<vmem>>[vector<16xi32>], vector<16xi32>, vector<16xi1>
        tpu.vector_store_idx %arg9[%max3A_218], %sub3A_202 masked %lt3A_206 : memref<5280xi32, #tpu.memory_space<vmem>>[vector<16xi32>], vector<16xi32>, vector<16xi1>
        %add3A_221 = arith.addi %add3A_194, %all_reduce_population_count3A_207 : vector<16xi32>
        scf.yield %add3A_221 : vector<16xi32>
      }
      %scan3A_84 = arith.constant 50 : i32
      %slice3A_85 = vector.extract_strided_slice %scan3A_83 {offsets = [0], sizes = [1], strides = [1]} : vector<16xi32> to vector<1xi32>
      %squeeze3A_86 = vector.extract %slice3A_85[0] : i32 from vector<1xi32>
      %ge3A = arith.constant 2048 : i32
      %ge3A_87 = arith.cmpi sge, %squeeze3A_86, %ge3A : i32
      %select_n3A = arith.select %ge3A_87, %broadcast_in_dim3A_1, %scan3A_83 : vector<16xi32>
      %mul3A_88 = arith.constant 2 : i32
      %mul3A_89 = arith.muli %scan3A_62, %mul3A_88 : i32
      %add3A_90 = arith.constant 1 : i32
      %add3A_91 = arith.addi %mul3A_89, %add3A_90 : i32
      %mul3A_92 = arith.constant 3200 : i32
      %mul3A_93 = arith.muli %add3A_91, %mul3A_92 : i32
      %dma_wait3A_94 = tpu.memref_slice %arg3[%mul3A_93] : memref<1600000xi32, #tpu.memory_space<hbm>> -> memref<3200xi32, #tpu.memory_space<hbm>>
      %dma_wait3A_95 = tpu.memref_slice %arg3[%mul3A_93] : memref<1600000xi32, #tpu.memory_space<hbm>> -> memref<3200xi32, #tpu.memory_space<hbm>>
      tpu.wait_dma2 semaphore(%arg12 : memref<!tpu.dma_semaphore, #tpu.memory_space<semaphore_mem>>) src(%dma_wait3A_95 : memref<3200xi32, #tpu.memory_space<hbm>>) dst(%arg7 : memref<3200xi32, #tpu.memory_space<vmem>>)
      %add3A_96 = arith.constant 1 : i32
      %add3A_97 = arith.addi %add3A_91, %add3A_96 : i32
      %lt3A_98 = arith.constant 500 : i32
      %lt3A_99 = arith.cmpi slt, %add3A_97, %lt3A_98 : i32
      %convert_element_type3A_100 = arith.extui %lt3A_99 : i1 to i32
      %cond3A_101 = arith.constant 0 : i32
      %cond3A_102 = arith.cmpi ne, %convert_element_type3A_100, %cond3A_101 : i32
      scf.if %cond3A_102 {
        %add3A_118 = arith.constant 1 : i32
        %add3A_119 = arith.addi %add3A_91, %add3A_118 : i32
        %mul3A_120 = arith.constant 3200 : i32
        %mul3A_121 = arith.muli %add3A_119, %mul3A_120 : i32
        %dma_start3A_122 = tpu.memref_slice %arg3[%mul3A_121] : memref<1600000xi32, #tpu.memory_space<hbm>> -> memref<3200xi32, #tpu.memory_space<hbm>>
        %dma_start3A_123 = tpu.memref_slice %arg3[%mul3A_121] : memref<1600000xi32, #tpu.memory_space<hbm>> -> memref<3200xi32, #tpu.memory_space<hbm>>
        tpu.enqueue_dma source(%dma_start3A_123 : memref<3200xi32, #tpu.memory_space<hbm>>) target(%arg6 : memref<3200xi32, #tpu.memory_space<vmem>>) target_semaphore(%arg11 : memref<!tpu.dma_semaphore, #tpu.memory_space<semaphore_mem>>)
      } else {
      }
      %mul3A_103 = arith.constant 3200 : i32
      %mul3A_104 = arith.muli %add3A_91, %mul3A_103 : i32
      %add3A_105 = vector.broadcast %mul3A_104 : i32 to vector<16xi32>
      %add3A_106 = arith.addi %iota3A, %add3A_105 : vector<16xi32>
      %scan3A_107 = arith.constant 0 : i32
      %scan3A_108 = arith.constant 50 : i32
      %scan3A_109 = arith.addi %scan3A_107, %scan3A_108 : i32
      %scan3A_110 = arith.constant 1 : i32
      %scan3A_111 = scf.for %scan3A_118 = %scan3A_107 to %scan3A_109 step %scan3A_110 iter_args(%scan3A_119 = %select_n3A) -> (vector<16xi32>)  : i32 {
        %mul3A_120 = arith.constant 64 : i32
        %mul3A_121 = arith.muli %scan3A_118, %mul3A_120 : i32
        %add3A_122 = arith.constant 0 : i32
        %add3A_123 = arith.addi %mul3A_121, %add3A_122 : i32
        %get3A = arith.index_cast %add3A_123 : i32 to index
        %get3A_124 = tpu.vector_load %arg7[%get3A] {strides = array<i32>} : memref<3200xi32, #tpu.memory_space<vmem>>, vector<16xi32>,
        %sub3A = vector.broadcast %mul3A_33 : i32 to vector<16xi32>
        %sub3A_125 = arith.subi %get3A_124, %sub3A : vector<16xi32>
        %bitcast3A = vector.bitcast %sub3A_125 : vector<16xi32> to vector<16xi32>
        %lt3A_126 = arith.constant 1568 : i32
        %lt3A_127 = vector.broadcast %lt3A_126 : i32 to vector<16xi32>
        %lt3A_128 = arith.cmpi ult, %bitcast3A, %lt3A_127 : vector<16xi32>
        %all_reduce_population_count3A = tpu.all_reduce %lt3A_128 {dim = 0 : i64, kind = #tpu.reduction_kind<sum>} : vector<16xi1> -> vector<16xi32>
        %convert_element_type3A_129 = arith.extui %lt3A_128 : vector<16xi1> to vector<16xi32>
        %broadcast_in_dim3A_130 = arith.constant true
        %broadcast_in_dim3A_131 = vector.broadcast %broadcast_in_dim3A_130 : i1 to vector<16xi1>
        %masked_cumsum3A = tpu.scan <sum>, %convert_element_type3A_129 masked %broadcast_in_dim3A_131 : vector<16xi32>, vector<16xi1> -> vector<16xi32>
        %add3A_132 = arith.addi %scan3A_119, %masked_cumsum3A : vector<16xi32>
        %sub3A_133 = arith.constant 1 : i32
        %sub3A_134 = vector.broadcast %sub3A_133 : i32 to vector<16xi32>
        %sub3A_135 = arith.subi %add3A_132, %sub3A_134 : vector<16xi32>
        %max3A = arith.constant 0 : i32
        %max3A_136 = vector.broadcast %max3A : i32 to vector<16xi32>
        %max3A_137 = arith.maxsi %sub3A_135, %max3A_136 : vector<16xi32>
        %add3A_138 = vector.broadcast %add3A_123 : i32 to vector<16xi32>
        %add3A_139 = arith.addi %add3A_106, %add3A_138 : vector<16xi32>
        tpu.vector_store_idx %arg8[%max3A_137], %add3A_139 masked %lt3A_128 : memref<5280xi32, #tpu.memory_space<vmem>>[vector<16xi32>], vector<16xi32>, vector<16xi1>
        tpu.vector_store_idx %arg9[%max3A_137], %sub3A_125 masked %lt3A_128 : memref<5280xi32, #tpu.memory_space<vmem>>[vector<16xi32>], vector<16xi32>, vector<16xi1>
        %add3A_140 = arith.addi %scan3A_119, %all_reduce_population_count3A : vector<16xi32>
        %mul3A_141 = arith.constant 64 : i32
        %mul3A_142 = arith.muli %scan3A_118, %mul3A_141 : i32
        %add3A_143 = arith.constant 16 : i32
        %add3A_144 = arith.addi %mul3A_142, %add3A_143 : i32
        %get3A_145 = arith.index_cast %add3A_144 : i32 to index
        %get3A_146 = tpu.vector_load %arg7[%get3A_145] {strides = array<i32>} : memref<3200xi32, #tpu.memory_space<vmem>>, vector<16xi32>,
        %sub3A_147 = vector.broadcast %mul3A_33 : i32 to vector<16xi32>
        %sub3A_148 = arith.subi %get3A_146, %sub3A_147 : vector<16xi32>
        %bitcast3A_149 = vector.bitcast %sub3A_148 : vector<16xi32> to vector<16xi32>
        %lt3A_150 = arith.constant 1568 : i32
        %lt3A_151 = vector.broadcast %lt3A_150 : i32 to vector<16xi32>
        %lt3A_152 = arith.cmpi ult, %bitcast3A_149, %lt3A_151 : vector<16xi32>
        %all_reduce_population_count3A_153 = tpu.all_reduce %lt3A_152 {dim = 0 : i64, kind = #tpu.reduction_kind<sum>} : vector<16xi1> -> vector<16xi32>
        %convert_element_type3A_154 = arith.extui %lt3A_152 : vector<16xi1> to vector<16xi32>
        %broadcast_in_dim3A_155 = arith.constant true
        %broadcast_in_dim3A_156 = vector.broadcast %broadcast_in_dim3A_155 : i1 to vector<16xi1>
        %masked_cumsum3A_157 = tpu.scan <sum>, %convert_element_type3A_154 masked %broadcast_in_dim3A_156 : vector<16xi32>, vector<16xi1> -> vector<16xi32>
        %add3A_158 = arith.addi %add3A_140, %masked_cumsum3A_157 : vector<16xi32>
        %sub3A_159 = arith.constant 1 : i32
        %sub3A_160 = vector.broadcast %sub3A_159 : i32 to vector<16xi32>
        %sub3A_161 = arith.subi %add3A_158, %sub3A_160 : vector<16xi32>
        %max3A_162 = arith.constant 0 : i32
        %max3A_163 = vector.broadcast %max3A_162 : i32 to vector<16xi32>
        %max3A_164 = arith.maxsi %sub3A_161, %max3A_163 : vector<16xi32>
        %add3A_165 = vector.broadcast %add3A_144 : i32 to vector<16xi32>
        %add3A_166 = arith.addi %add3A_106, %add3A_165 : vector<16xi32>
        tpu.vector_store_idx %arg8[%max3A_164], %add3A_166 masked %lt3A_152 : memref<5280xi32, #tpu.memory_space<vmem>>[vector<16xi32>], vector<16xi32>, vector<16xi1>
        tpu.vector_store_idx %arg9[%max3A_164], %sub3A_148 masked %lt3A_152 : memref<5280xi32, #tpu.memory_space<vmem>>[vector<16xi32>], vector<16xi32>, vector<16xi1>
        %add3A_167 = arith.addi %add3A_140, %all_reduce_population_count3A_153 : vector<16xi32>
        %mul3A_168 = arith.constant 64 : i32
        %mul3A_169 = arith.muli %scan3A_118, %mul3A_168 : i32
        %add3A_170 = arith.constant 32 : i32
        %add3A_171 = arith.addi %mul3A_169, %add3A_170 : i32
        %get3A_172 = arith.index_cast %add3A_171 : i32 to index
        %get3A_173 = tpu.vector_load %arg7[%get3A_172] {strides = array<i32>} : memref<3200xi32, #tpu.memory_space<vmem>>, vector<16xi32>,
        %sub3A_174 = vector.broadcast %mul3A_33 : i32 to vector<16xi32>
        %sub3A_175 = arith.subi %get3A_173, %sub3A_174 : vector<16xi32>
        %bitcast3A_176 = vector.bitcast %sub3A_175 : vector<16xi32> to vector<16xi32>
        %lt3A_177 = arith.constant 1568 : i32
        %lt3A_178 = vector.broadcast %lt3A_177 : i32 to vector<16xi32>
        %lt3A_179 = arith.cmpi ult, %bitcast3A_176, %lt3A_178 : vector<16xi32>
        %all_reduce_population_count3A_180 = tpu.all_reduce %lt3A_179 {dim = 0 : i64, kind = #tpu.reduction_kind<sum>} : vector<16xi1> -> vector<16xi32>
        %convert_element_type3A_181 = arith.extui %lt3A_179 : vector<16xi1> to vector<16xi32>
        %broadcast_in_dim3A_182 = arith.constant true
        %broadcast_in_dim3A_183 = vector.broadcast %broadcast_in_dim3A_182 : i1 to vector<16xi1>
        %masked_cumsum3A_184 = tpu.scan <sum>, %convert_element_type3A_181 masked %broadcast_in_dim3A_183 : vector<16xi32>, vector<16xi1> -> vector<16xi32>
        %add3A_185 = arith.addi %add3A_167, %masked_cumsum3A_184 : vector<16xi32>
        %sub3A_186 = arith.constant 1 : i32
        %sub3A_187 = vector.broadcast %sub3A_186 : i32 to vector<16xi32>
        %sub3A_188 = arith.subi %add3A_185, %sub3A_187 : vector<16xi32>
        %max3A_189 = arith.constant 0 : i32
        %max3A_190 = vector.broadcast %max3A_189 : i32 to vector<16xi32>
        %max3A_191 = arith.maxsi %sub3A_188, %max3A_190 : vector<16xi32>
        %add3A_192 = vector.broadcast %add3A_171 : i32 to vector<16xi32>
        %add3A_193 = arith.addi %add3A_106, %add3A_192 : vector<16xi32>
        tpu.vector_store_idx %arg8[%max3A_191], %add3A_193 masked %lt3A_179 : memref<5280xi32, #tpu.memory_space<vmem>>[vector<16xi32>], vector<16xi32>, vector<16xi1>
        tpu.vector_store_idx %arg9[%max3A_191], %sub3A_175 masked %lt3A_179 : memref<5280xi32, #tpu.memory_space<vmem>>[vector<16xi32>], vector<16xi32>, vector<16xi1>
        %add3A_194 = arith.addi %add3A_167, %all_reduce_population_count3A_180 : vector<16xi32>
        %mul3A_195 = arith.constant 64 : i32
        %mul3A_196 = arith.muli %scan3A_118, %mul3A_195 : i32
        %add3A_197 = arith.constant 48 : i32
        %add3A_198 = arith.addi %mul3A_196, %add3A_197 : i32
        %get3A_199 = arith.index_cast %add3A_198 : i32 to index
        %get3A_200 = tpu.vector_load %arg7[%get3A_199] {strides = array<i32>} : memref<3200xi32, #tpu.memory_space<vmem>>, vector<16xi32>,
        %sub3A_201 = vector.broadcast %mul3A_33 : i32 to vector<16xi32>
        %sub3A_202 = arith.subi %get3A_200, %sub3A_201 : vector<16xi32>
        %bitcast3A_203 = vector.bitcast %sub3A_202 : vector<16xi32> to vector<16xi32>
        %lt3A_204 = arith.constant 1568 : i32
        %lt3A_205 = vector.broadcast %lt3A_204 : i32 to vector<16xi32>
        %lt3A_206 = arith.cmpi ult, %bitcast3A_203, %lt3A_205 : vector<16xi32>
        %all_reduce_population_count3A_207 = tpu.all_reduce %lt3A_206 {dim = 0 : i64, kind = #tpu.reduction_kind<sum>} : vector<16xi1> -> vector<16xi32>
        %convert_element_type3A_208 = arith.extui %lt3A_206 : vector<16xi1> to vector<16xi32>
        %broadcast_in_dim3A_209 = arith.constant true
        %broadcast_in_dim3A_210 = vector.broadcast %broadcast_in_dim3A_209 : i1 to vector<16xi1>
        %masked_cumsum3A_211 = tpu.scan <sum>, %convert_element_type3A_208 masked %broadcast_in_dim3A_210 : vector<16xi32>, vector<16xi1> -> vector<16xi32>
        %add3A_212 = arith.addi %add3A_194, %masked_cumsum3A_211 : vector<16xi32>
        %sub3A_213 = arith.constant 1 : i32
        %sub3A_214 = vector.broadcast %sub3A_213 : i32 to vector<16xi32>
        %sub3A_215 = arith.subi %add3A_212, %sub3A_214 : vector<16xi32>
        %max3A_216 = arith.constant 0 : i32
        %max3A_217 = vector.broadcast %max3A_216 : i32 to vector<16xi32>
        %max3A_218 = arith.maxsi %sub3A_215, %max3A_217 : vector<16xi32>
        %add3A_219 = vector.broadcast %add3A_198 : i32 to vector<16xi32>
        %add3A_220 = arith.addi %add3A_106, %add3A_219 : vector<16xi32>
        tpu.vector_store_idx %arg8[%max3A_218], %add3A_220 masked %lt3A_206 : memref<5280xi32, #tpu.memory_space<vmem>>[vector<16xi32>], vector<16xi32>, vector<16xi1>
        tpu.vector_store_idx %arg9[%max3A_218], %sub3A_202 masked %lt3A_206 : memref<5280xi32, #tpu.memory_space<vmem>>[vector<16xi32>], vector<16xi32>, vector<16xi1>
        %add3A_221 = arith.addi %add3A_194, %all_reduce_population_count3A_207 : vector<16xi32>
        scf.yield %add3A_221 : vector<16xi32>
      }
      %scan3A_112 = arith.constant 50 : i32
      %slice3A_113 = vector.extract_strided_slice %scan3A_111 {offsets = [0], sizes = [1], strides = [1]} : vector<16xi32> to vector<1xi32>
      %squeeze3A_114 = vector.extract %slice3A_113[0] : i32 from vector<1xi32>
      %ge3A_115 = arith.constant 2048 : i32
      %ge3A_116 = arith.cmpi sge, %squeeze3A_114, %ge3A_115 : i32
      %select_n3A_117 = arith.select %ge3A_116, %broadcast_in_dim3A_1, %scan3A_111 : vector<16xi32>
      scf.yield %select_n3A_117 : vector<16xi32>
    }
    %scan3A_57 = arith.constant 250 : i32
    %slice3A_58 = vector.extract_strided_slice %scan3A_56 {offsets = [0], sizes = [1], strides = [1]} : vector<16xi32> to vector<1xi32>
    %squeeze3A_59 = vector.extract %slice3A_58[0] : i32 from vector<1xi32>
    %mul3A_60 = arith.constant 100352 : i32
    %mul3A_61 = arith.muli %add3A_31, %mul3A_60 : i32
    "tpu.region"() ({
      %run_scoped3A = tpu.sem_alloc : memref<!tpu.dma_semaphore, #tpu.memory_space<semaphore_mem>>
      %dma_start3A_62 = tpu.memref_slice %arg4[%mul3A_61] : memref<6422528xf32, #tpu.memory_space<hbm>> -> memref<100352xf32, #tpu.memory_space<hbm>>
      %dma_start3A_63 = tpu.memref_slice %arg4[%mul3A_61] : memref<6422528xf32, #tpu.memory_space<hbm>> -> memref<100352xf32, #tpu.memory_space<hbm>>
      tpu.enqueue_dma source(%arg5 : memref<100352xf32, #tpu.memory_space<vmem>>) target(%dma_start3A_63 : memref<100352xf32, #tpu.memory_space<hbm>>) target_semaphore(%run_scoped3A : memref<!tpu.dma_semaphore, #tpu.memory_space<semaphore_mem>>)
      %dma_wait3A = tpu.memref_slice %arg4[%mul3A_61] : memref<6422528xf32, #tpu.memory_space<hbm>> -> memref<100352xf32, #tpu.memory_space<hbm>>
      %dma_wait3A_64 = tpu.memref_slice %arg4[%mul3A_61] : memref<6422528xf32, #tpu.memory_space<hbm>> -> memref<100352xf32, #tpu.memory_space<hbm>>
      tpu.wait_dma2 semaphore(%run_scoped3A : memref<!tpu.dma_semaphore, #tpu.memory_space<semaphore_mem>>) src(%arg5 : memref<100352xf32, #tpu.memory_space<vmem>>) dst(%dma_wait3A_64 : memref<100352xf32, #tpu.memory_space<hbm>>)
      tpu.yield
    }) : () -> ()
    return
  }
}

module attributes {stable_mosaic.version = 14 : i64} {
  func.func @_moments0_kernel(%arg0: i32, %arg1: memref<4000x5xf32, #tpu.memory_space<vmem>>, %arg2: memref<5x5xf32, #tpu.memory_space<vmem>>, %arg3: memref<1x5xf32, #tpu.memory_space<vmem>>) attributes {dimension_semantics = [#tpu.dimension_semantics<arbitrary>], iteration_bounds = array<i64: 400>, scalar_prefetch = 0 : i64, scratch_operands = 0 : i64, tpu.core_type = #tpu.core_type<tc>, window_params = [{transform_indices = @transform_0, window_bounds = array<i64: 4000, 5>}, {pipeline_mode = #tpu.pipeline_mode<synchronous>, transform_indices = @transform_1, window_bounds = array<i64: 5, 5>}, {pipeline_mode = #tpu.pipeline_mode<synchronous>, transform_indices = @transform_2, window_bounds = array<i64: 1, 5>}]} {
    %eq3A = arith.constant 0 : i32
    %eq3A_0 = arith.cmpi eq, %arg0, %eq3A : i32
    %convert_element_type3A = arith.extui %eq3A_0 : i1 to i32
    %cond3A = arith.constant 0 : i32
    %cond3A_1 = arith.cmpi ne, %convert_element_type3A, %cond3A : i32
    scf.if %cond3A_1 {
      %broadcast_in_dim3A_18 = arith.constant 0.000000e+00 : f32
      %broadcast_in_dim3A_19 = vector.broadcast %broadcast_in_dim3A_18 : f32 to vector<5x5xf32>
      %swap3A_20 = arith.constant 0 : index
      %swap3A_21 = arith.constant 0 : index
      %swap3A_22 = vector.load %arg2[%swap3A_20, %swap3A_21] : memref<5x5xf32, #tpu.memory_space<vmem>>, vector<5x5xf32>
      tpu.vector_store %arg2[%swap3A_20, %swap3A_21], %broadcast_in_dim3A_19 {strides = array<i32>} : memref<5x5xf32, #tpu.memory_space<vmem>>, vector<5x5xf32>,
      %broadcast_in_dim3A_23 = arith.constant 0.000000e+00 : f32
      %broadcast_in_dim3A_24 = vector.broadcast %broadcast_in_dim3A_23 : f32 to vector<1x5xf32>
      %swap3A_25 = arith.constant 0 : index
      %swap3A_26 = arith.constant 0 : index
      %swap3A_27 = vector.load %arg3[%swap3A_25, %swap3A_26] : memref<1x5xf32, #tpu.memory_space<vmem>>, vector<1x5xf32>
      tpu.vector_store %arg3[%swap3A_25, %swap3A_26], %broadcast_in_dim3A_24 {strides = array<i32>} : memref<1x5xf32, #tpu.memory_space<vmem>>, vector<1x5xf32>,
    } else {
    }
    %get3A = arith.constant 0 : index
    %get3A_2 = arith.constant 0 : index
    %get3A_3 = vector.load %arg1[%get3A, %get3A_2] : memref<4000x5xf32, #tpu.memory_space<vmem>>, vector<4000x5xf32>
    %get3A_4 = arith.constant 0 : index
    %get3A_5 = arith.constant 0 : index
    %get3A_6 = vector.load %arg2[%get3A_4, %get3A_5] : memref<5x5xf32, #tpu.memory_space<vmem>>, vector<5x5xf32>
    %dot_general3A = arith.constant dense<0.000000e+00> : vector<5x5xf32>
    %dot_general3A_7 = tpu.matmul %get3A_3, %get3A_3, %dot_general3A {dimension_numbers = #tpu.dot_dimension_numbers<[0], [0], [1], [1], [0, 1, 1, 1], [], []>, transpose_lhs_hint = false} : vector<4000x5xf32>, vector<4000x5xf32>, vector<5x5xf32> -> vector<5x5xf32>
    %add3A = arith.addf %get3A_6, %dot_general3A_7 : vector<5x5xf32>
    %swap3A = arith.constant 0 : index
    %swap3A_8 = arith.constant 0 : index
    %swap3A_9 = vector.load %arg2[%swap3A, %swap3A_8] : memref<5x5xf32, #tpu.memory_space<vmem>>, vector<5x5xf32>
    tpu.vector_store %arg2[%swap3A, %swap3A_8], %add3A {strides = array<i32>} : memref<5x5xf32, #tpu.memory_space<vmem>>, vector<5x5xf32>,
    %get3A_10 = arith.constant 0 : index
    %get3A_11 = arith.constant 0 : index
    %get3A_12 = vector.load %arg3[%get3A_10, %get3A_11] : memref<1x5xf32, #tpu.memory_space<vmem>>, vector<1x5xf32>
    %reduce_sum3A = arith.constant dense<0.000000e+00> : vector<5xf32>
    %reduce_sum3A_13 = vector.multi_reduction <add>, %get3A_3, %reduce_sum3A [0] : vector<4000x5xf32> to vector<5xf32>
    %broadcast_in_dim3A = vector.shape_cast %reduce_sum3A_13 : vector<5xf32> to vector<1x5xf32>
    %add3A_14 = arith.addf %get3A_12, %broadcast_in_dim3A : vector<1x5xf32>
    %swap3A_15 = arith.constant 0 : index
    %swap3A_16 = arith.constant 0 : index
    %swap3A_17 = vector.load %arg3[%swap3A_15, %swap3A_16] : memref<1x5xf32, #tpu.memory_space<vmem>>, vector<1x5xf32>
    tpu.vector_store %arg3[%swap3A_15, %swap3A_16], %add3A_14 {strides = array<i32>} : memref<1x5xf32, #tpu.memory_space<vmem>>, vector<1x5xf32>,
    return
  }
  func.func @transform_0(%arg0: i32) -> (i32, i32) {
    %c0_i32 = arith.constant 0 : i32
    %c0_i32_0 = arith.constant 0 : i32
    return %arg0, %c0_i32 : i32, i32
  }
  func.func @transform_1(%arg0: i32) -> (i32, i32) {
    %c0_i32 = arith.constant 0 : i32
    %c0_i32_0 = arith.constant 0 : i32
    %c0_i32_1 = arith.constant 0 : i32
    return %c0_i32, %c0_i32_0 : i32, i32
  }
  func.func @transform_2(%arg0: i32) -> (i32, i32) {
    %c0_i32 = arith.constant 0 : i32
    %c0_i32_0 = arith.constant 0 : i32
    %c0_i32_1 = arith.constant 0 : i32
    return %c0_i32, %c0_i32_0 : i32, i32
  }
}

module attributes {stable_mosaic.version = 14 : i64} {
  func.func @_moments1_kernel(%arg0: i32, %arg1: memref<4000x5xf32, #tpu.memory_space<vmem>>, %arg2: memref<5x32xf32, #tpu.memory_space<vmem>>, %arg3: memref<1x32xf32, #tpu.memory_space<vmem>>, %arg4: memref<32x32xf32, #tpu.memory_space<vmem>>, %arg5: memref<1x32xf32, #tpu.memory_space<vmem>>) attributes {dimension_semantics = [#tpu.dimension_semantics<arbitrary>], iteration_bounds = array<i64: 400>, scalar_prefetch = 0 : i64, scratch_operands = 0 : i64, tpu.core_type = #tpu.core_type<tc>, window_params = [{transform_indices = @transform_0, window_bounds = array<i64: 4000, 5>}, {pipeline_mode = #tpu.pipeline_mode<synchronous>, transform_indices = @transform_1, window_bounds = array<i64: 5, 32>}, {pipeline_mode = #tpu.pipeline_mode<synchronous>, transform_indices = @transform_2, window_bounds = array<i64: 1, 32>}, {pipeline_mode = #tpu.pipeline_mode<synchronous>, transform_indices = @transform_3, window_bounds = array<i64: 32, 32>}, {pipeline_mode = #tpu.pipeline_mode<synchronous>, transform_indices = @transform_4, window_bounds = array<i64: 1, 32>}]} {
    %eq3A = arith.constant 0 : i32
    %eq3A_0 = arith.cmpi eq, %arg0, %eq3A : i32
    %convert_element_type3A = arith.extui %eq3A_0 : i1 to i32
    %cond3A = arith.constant 0 : i32
    %cond3A_1 = arith.cmpi ne, %convert_element_type3A, %cond3A : i32
    scf.if %cond3A_1 {
      %broadcast_in_dim3A_30 = arith.constant 0.000000e+00 : f32
      %broadcast_in_dim3A_31 = vector.broadcast %broadcast_in_dim3A_30 : f32 to vector<32x32xf32>
      %swap3A_32 = arith.constant 0 : index
      %swap3A_33 = arith.constant 0 : index
      %swap3A_34 = vector.load %arg4[%swap3A_32, %swap3A_33] : memref<32x32xf32, #tpu.memory_space<vmem>>, vector<32x32xf32>
      tpu.vector_store %arg4[%swap3A_32, %swap3A_33], %broadcast_in_dim3A_31 {strides = array<i32>} : memref<32x32xf32, #tpu.memory_space<vmem>>, vector<32x32xf32>,
      %broadcast_in_dim3A_35 = arith.constant 0.000000e+00 : f32
      %broadcast_in_dim3A_36 = vector.broadcast %broadcast_in_dim3A_35 : f32 to vector<1x32xf32>
      %swap3A_37 = arith.constant 0 : index
      %swap3A_38 = arith.constant 0 : index
      %swap3A_39 = vector.load %arg5[%swap3A_37, %swap3A_38] : memref<1x32xf32, #tpu.memory_space<vmem>>, vector<1x32xf32>
      tpu.vector_store %arg5[%swap3A_37, %swap3A_38], %broadcast_in_dim3A_36 {strides = array<i32>} : memref<1x32xf32, #tpu.memory_space<vmem>>, vector<1x32xf32>,
    } else {
    }
    %get3A = arith.constant 0 : index
    %get3A_2 = arith.constant 0 : index
    %get3A_3 = vector.load %arg1[%get3A, %get3A_2] : memref<4000x5xf32, #tpu.memory_space<vmem>>, vector<4000x5xf32>
    %get3A_4 = arith.constant 0 : index
    %get3A_5 = arith.constant 0 : index
    %get3A_6 = vector.load %arg2[%get3A_4, %get3A_5] : memref<5x32xf32, #tpu.memory_space<vmem>>, vector<5x32xf32>
    %dot_general3A = arith.constant dense<0.000000e+00> : vector<4000x32xf32>
    %dot_general3A_7 = tpu.matmul %get3A_3, %get3A_6, %dot_general3A {dimension_numbers = #tpu.dot_dimension_numbers<[1], [0], [0], [1], [0, 0, 1, 1], [], []>, transpose_lhs_hint = false} : vector<4000x5xf32>, vector<5x32xf32>, vector<4000x32xf32> -> vector<4000x32xf32>
    %get3A_8 = arith.constant 0 : index
    %get3A_9 = arith.constant 0 : index
    %get3A_10 = vector.load %arg3[%get3A_8, %get3A_9] : memref<1x32xf32, #tpu.memory_space<vmem>>, vector<1x32xf32>
    %add3A = vector.broadcast %get3A_10 : vector<1x32xf32> to vector<4000x32xf32>
    %add3A_11 = arith.addf %dot_general3A_7, %add3A : vector<4000x32xf32>
    %max3A = arith.constant 0.000000e+00 : f32
    %max3A_12 = vector.broadcast %max3A : f32 to vector<4000x32xf32>
    %max3A_13 = arith.maximumf %add3A_11, %max3A_12 : vector<4000x32xf32>
    %get3A_14 = arith.constant 0 : index
    %get3A_15 = arith.constant 0 : index
    %get3A_16 = vector.load %arg4[%get3A_14, %get3A_15] : memref<32x32xf32, #tpu.memory_space<vmem>>, vector<32x32xf32>
    %dot_general3A_17 = arith.constant dense<0.000000e+00> : vector<32x32xf32>
    %dot_general3A_18 = tpu.matmul %max3A_13, %max3A_13, %dot_general3A_17 {dimension_numbers = #tpu.dot_dimension_numbers<[0], [0], [1], [1], [0, 1, 1, 1], [], []>, transpose_lhs_hint = false} : vector<4000x32xf32>, vector<4000x32xf32>, vector<32x32xf32> -> vector<32x32xf32>
    %add3A_19 = arith.addf %get3A_16, %dot_general3A_18 : vector<32x32xf32>
    %swap3A = arith.constant 0 : index
    %swap3A_20 = arith.constant 0 : index
    %swap3A_21 = vector.load %arg4[%swap3A, %swap3A_20] : memref<32x32xf32, #tpu.memory_space<vmem>>, vector<32x32xf32>
    tpu.vector_store %arg4[%swap3A, %swap3A_20], %add3A_19 {strides = array<i32>} : memref<32x32xf32, #tpu.memory_space<vmem>>, vector<32x32xf32>,
    %get3A_22 = arith.constant 0 : index
    %get3A_23 = arith.constant 0 : index
    %get3A_24 = vector.load %arg5[%get3A_22, %get3A_23] : memref<1x32xf32, #tpu.memory_space<vmem>>, vector<1x32xf32>
    %reduce_sum3A = arith.constant dense<0.000000e+00> : vector<32xf32>
    %reduce_sum3A_25 = vector.multi_reduction <add>, %max3A_13, %reduce_sum3A [0] : vector<4000x32xf32> to vector<32xf32>
    %broadcast_in_dim3A = vector.shape_cast %reduce_sum3A_25 : vector<32xf32> to vector<1x32xf32>
    %add3A_26 = arith.addf %get3A_24, %broadcast_in_dim3A : vector<1x32xf32>
    %swap3A_27 = arith.constant 0 : index
    %swap3A_28 = arith.constant 0 : index
    %swap3A_29 = vector.load %arg5[%swap3A_27, %swap3A_28] : memref<1x32xf32, #tpu.memory_space<vmem>>, vector<1x32xf32>
    tpu.vector_store %arg5[%swap3A_27, %swap3A_28], %add3A_26 {strides = array<i32>} : memref<1x32xf32, #tpu.memory_space<vmem>>, vector<1x32xf32>,
    return
  }
  func.func @transform_0(%arg0: i32) -> (i32, i32) {
    %c0_i32 = arith.constant 0 : i32
    %c0_i32_0 = arith.constant 0 : i32
    return %arg0, %c0_i32 : i32, i32
  }
  func.func @transform_1(%arg0: i32) -> (i32, i32) {
    %c0_i32 = arith.constant 0 : i32
    %c0_i32_0 = arith.constant 0 : i32
    %c0_i32_1 = arith.constant 0 : i32
    return %c0_i32, %c0_i32_0 : i32, i32
  }
  func.func @transform_2(%arg0: i32) -> (i32, i32) {
    %c0_i32 = arith.constant 0 : i32
    %c0_i32_0 = arith.constant 0 : i32
    %c0_i32_1 = arith.constant 0 : i32
    return %c0_i32, %c0_i32_0 : i32, i32
  }
  func.func @transform_3(%arg0: i32) -> (i32, i32) {
    %c0_i32 = arith.constant 0 : i32
    %c0_i32_0 = arith.constant 0 : i32
    %c0_i32_1 = arith.constant 0 : i32
    return %c0_i32, %c0_i32_0 : i32, i32
  }
  func.func @transform_4(%arg0: i32) -> (i32, i32) {
    %c0_i32 = arith.constant 0 : i32
    %c0_i32_0 = arith.constant 0 : i32
    %c0_i32_1 = arith.constant 0 : i32
    return %c0_i32, %c0_i32_0 : i32, i32
  }
}

module attributes {stable_mosaic.version = 14 : i64} {
  func.func @_mlp_kernel(%arg0: i32, %arg1: memref<4000x5xf32, #tpu.memory_space<vmem>>, %arg2: memref<5x32xf32, #tpu.memory_space<vmem>>, %arg3: memref<1x32xf32, #tpu.memory_space<vmem>>, %arg4: memref<32x32xf32, #tpu.memory_space<vmem>>, %arg5: memref<1x32xf32, #tpu.memory_space<vmem>>, %arg6: memref<32x64xf32, #tpu.memory_space<vmem>>, %arg7: memref<1x64xf32, #tpu.memory_space<vmem>>, %arg8: memref<4000x64xf32, #tpu.memory_space<vmem>>) attributes {dimension_semantics = [#tpu.dimension_semantics<arbitrary>], iteration_bounds = array<i64: 400>, scalar_prefetch = 0 : i64, scratch_operands = 0 : i64, tpu.core_type = #tpu.core_type<tc>, window_params = [{transform_indices = @transform_0, window_bounds = array<i64: 4000, 5>}, {pipeline_mode = #tpu.pipeline_mode<synchronous>, transform_indices = @transform_1, window_bounds = array<i64: 5, 32>}, {pipeline_mode = #tpu.pipeline_mode<synchronous>, transform_indices = @transform_2, window_bounds = array<i64: 1, 32>}, {pipeline_mode = #tpu.pipeline_mode<synchronous>, transform_indices = @transform_3, window_bounds = array<i64: 32, 32>}, {pipeline_mode = #tpu.pipeline_mode<synchronous>, transform_indices = @transform_4, window_bounds = array<i64: 1, 32>}, {pipeline_mode = #tpu.pipeline_mode<synchronous>, transform_indices = @transform_5, window_bounds = array<i64: 32, 64>}, {pipeline_mode = #tpu.pipeline_mode<synchronous>, transform_indices = @transform_6, window_bounds = array<i64: 1, 64>}, {transform_indices = @transform_7, window_bounds = array<i64: 4000, 64>}]} {
    %get3A = arith.constant 0 : index
    %get3A_0 = arith.constant 0 : index
    %get3A_1 = vector.load %arg1[%get3A, %get3A_0] : memref<4000x5xf32, #tpu.memory_space<vmem>>, vector<4000x5xf32>
    %get3A_2 = arith.constant 0 : index
    %get3A_3 = arith.constant 0 : index
    %get3A_4 = vector.load %arg2[%get3A_2, %get3A_3] : memref<5x32xf32, #tpu.memory_space<vmem>>, vector<5x32xf32>
    %dot_general3A = arith.constant dense<0.000000e+00> : vector<4000x32xf32>
    %dot_general3A_5 = tpu.matmul %get3A_1, %get3A_4, %dot_general3A {dimension_numbers = #tpu.dot_dimension_numbers<[1], [0], [0], [1], [0, 0, 1, 1], [], []>, transpose_lhs_hint = false} : vector<4000x5xf32>, vector<5x32xf32>, vector<4000x32xf32> -> vector<4000x32xf32>
    %get3A_6 = arith.constant 0 : index
    %get3A_7 = arith.constant 0 : index
    %get3A_8 = vector.load %arg3[%get3A_6, %get3A_7] : memref<1x32xf32, #tpu.memory_space<vmem>>, vector<1x32xf32>
    %add3A = vector.broadcast %get3A_8 : vector<1x32xf32> to vector<4000x32xf32>
    %add3A_9 = arith.addf %dot_general3A_5, %add3A : vector<4000x32xf32>
    %max3A = arith.constant 0.000000e+00 : f32
    %max3A_10 = vector.broadcast %max3A : f32 to vector<4000x32xf32>
    %max3A_11 = arith.maximumf %add3A_9, %max3A_10 : vector<4000x32xf32>
    %get3A_12 = arith.constant 0 : index
    %get3A_13 = arith.constant 0 : index
    %get3A_14 = vector.load %arg4[%get3A_12, %get3A_13] : memref<32x32xf32, #tpu.memory_space<vmem>>, vector<32x32xf32>
    %dot_general3A_15 = arith.constant dense<0.000000e+00> : vector<4000x32xf32>
    %dot_general3A_16 = tpu.matmul %max3A_11, %get3A_14, %dot_general3A_15 {dimension_numbers = #tpu.dot_dimension_numbers<[1], [0], [0], [1], [0, 0, 1, 1], [], []>, transpose_lhs_hint = false} : vector<4000x32xf32>, vector<32x32xf32>, vector<4000x32xf32> -> vector<4000x32xf32>
    %get3A_17 = arith.constant 0 : index
    %get3A_18 = arith.constant 0 : index
    %get3A_19 = vector.load %arg5[%get3A_17, %get3A_18] : memref<1x32xf32, #tpu.memory_space<vmem>>, vector<1x32xf32>
    %add3A_20 = vector.broadcast %get3A_19 : vector<1x32xf32> to vector<4000x32xf32>
    %add3A_21 = arith.addf %dot_general3A_16, %add3A_20 : vector<4000x32xf32>
    %max3A_22 = arith.constant 0.000000e+00 : f32
    %max3A_23 = vector.broadcast %max3A_22 : f32 to vector<4000x32xf32>
    %max3A_24 = arith.maximumf %add3A_21, %max3A_23 : vector<4000x32xf32>
    %get3A_25 = arith.constant 0 : index
    %get3A_26 = arith.constant 0 : index
    %get3A_27 = vector.load %arg6[%get3A_25, %get3A_26] : memref<32x64xf32, #tpu.memory_space<vmem>>, vector<32x64xf32>
    %dot_general3A_28 = arith.constant dense<0.000000e+00> : vector<4000x64xf32>
    %dot_general3A_29 = tpu.matmul %max3A_24, %get3A_27, %dot_general3A_28 {dimension_numbers = #tpu.dot_dimension_numbers<[1], [0], [0], [1], [0, 0, 1, 1], [], []>, transpose_lhs_hint = false} : vector<4000x32xf32>, vector<32x64xf32>, vector<4000x64xf32> -> vector<4000x64xf32>
    %get3A_30 = arith.constant 0 : index
    %get3A_31 = arith.constant 0 : index
    %get3A_32 = vector.load %arg7[%get3A_30, %get3A_31] : memref<1x64xf32, #tpu.memory_space<vmem>>, vector<1x64xf32>
    %add3A_33 = vector.broadcast %get3A_32 : vector<1x64xf32> to vector<4000x64xf32>
    %add3A_34 = arith.addf %dot_general3A_29, %add3A_33 : vector<4000x64xf32>
    %max3A_35 = arith.constant 0.000000e+00 : f32
    %max3A_36 = vector.broadcast %max3A_35 : f32 to vector<4000x64xf32>
    %max3A_37 = arith.maximumf %add3A_34, %max3A_36 : vector<4000x64xf32>
    %swap3A = arith.constant 0 : index
    %swap3A_38 = arith.constant 0 : index
    %swap3A_39 = vector.load %arg8[%swap3A, %swap3A_38] : memref<4000x64xf32, #tpu.memory_space<vmem>>, vector<4000x64xf32>
    tpu.vector_store %arg8[%swap3A, %swap3A_38], %max3A_37 {strides = array<i32>} : memref<4000x64xf32, #tpu.memory_space<vmem>>, vector<4000x64xf32>,
    return
  }
  func.func @transform_0(%arg0: i32) -> (i32, i32) {
    %c0_i32 = arith.constant 0 : i32
    %c0_i32_0 = arith.constant 0 : i32
    return %arg0, %c0_i32 : i32, i32
  }
  func.func @transform_1(%arg0: i32) -> (i32, i32) {
    %c0_i32 = arith.constant 0 : i32
    %c0_i32_0 = arith.constant 0 : i32
    %c0_i32_1 = arith.constant 0 : i32
    return %c0_i32, %c0_i32_0 : i32, i32
  }
  func.func @transform_2(%arg0: i32) -> (i32, i32) {
    %c0_i32 = arith.constant 0 : i32
    %c0_i32_0 = arith.constant 0 : i32
    %c0_i32_1 = arith.constant 0 : i32
    return %c0_i32, %c0_i32_0 : i32, i32
  }
  func.func @transform_3(%arg0: i32) -> (i32, i32) {
    %c0_i32 = arith.constant 0 : i32
    %c0_i32_0 = arith.constant 0 : i32
    %c0_i32_1 = arith.constant 0 : i32
    return %c0_i32, %c0_i32_0 : i32, i32
  }
  func.func @transform_4(%arg0: i32) -> (i32, i32) {
    %c0_i32 = arith.constant 0 : i32
    %c0_i32_0 = arith.constant 0 : i32
    %c0_i32_1 = arith.constant 0 : i32
    return %c0_i32, %c0_i32_0 : i32, i32
  }
  func.func @transform_5(%arg0: i32) -> (i32, i32) {
    %c0_i32 = arith.constant 0 : i32
    %c0_i32_0 = arith.constant 0 : i32
    %c0_i32_1 = arith.constant 0 : i32
    return %c0_i32, %c0_i32_0 : i32, i32
  }
  func.func @transform_6(%arg0: i32) -> (i32, i32) {
    %c0_i32 = arith.constant 0 : i32
    %c0_i32_0 = arith.constant 0 : i32
    %c0_i32_1 = arith.constant 0 : i32
    return %c0_i32, %c0_i32_0 : i32, i32
  }
  func.func @transform_7(%arg0: i32) -> (i32, i32) {
    %c0_i32 = arith.constant 0 : i32
    %c0_i32_0 = arith.constant 0 : i32
    return %arg0, %c0_i32 : i32, i32
  }
}

</mosaic_0001>

<sc_bundles>
// kernel: kernel.6.cloned.1.call-start
scs
__scs_entry_jumppad:
0x0: {  	(pc) =	sbr.rel $0x88, $3  }
0x1: {  	(tag) =	ssettag $0x0;
	lr =	simm.s32 $0x1  }
0x2: {  	[smem:$0x3F97] =	sst lr;
	_ =	strace $0xD0000000  }
0x3: {  	_ = 	snop  }
0x4: {  	_ = 	snop  }
0x5: {  	_ = 	snop  }
0x6: {  	_ = 	snop  }
0x7: {  	_ = 	snop  }
__scs_overlays_trampoline_lowered:
0x8: {  	[smem:$0x3FA6] =	sst s0  }
0x9: {  	[smem:$0x3FA7] =	sst s1  }
0xa: {  	[smem:$0x3FA8] =	sst s2  }
0xb: {  	[smem:$0x3FA9] =	sst s3  }
0xc: {  	[smem:$0x3FAA] =	sst s4  }
0xd: {  	[smem:$0x3FAB] =	sst s5  }
0xe: {  	[smem:$0x3FAC] =	sst s6  }
0xf: {  	[smem:$0x3FAD] =	sst s7  }
0x10: {  	[smem:$0x3FAE] =	sst s8  }
0x11: {  	[smem:$0x3FAF] =	sst s9;
	s0 =	simm.s32 @!p0 $0x0  }
0x12: {  	s1 =	sld [smem:$0x3F95];
	s0 =	simm.s32 @p0 $0x1  }
0x13: {  	[smem:$0x3FB0] =	sst s0;
	s0 =	simm.s32 @!p1 $0x0  }
0x14: {  	s2 =	sld [smem:$0x3F94];
	s0 =	simm.s32 @p1 $0x1  }
0x15: {  	[smem:$0x3FB1] =	sst s0;
	s0 =	simm.s32 @!p2 $0x0  }
0x16: {  	s3 =	sld [smem:$0x3FDB];
	s0 =	simm.s32 @p2 $0x1  }
0x17: {  	s4 =	simm.s32 $0x1BF5;
	[smem:$0x3FB3] =	sst s0  }
0x18: {  	s0 =	sld [smem:$0x3F96];
	_ =	swait.ge [sflag:s4], $0x0  }
0x19: {  	s7 =	sld [smem:$0x3F97]  }
0x1a: {  	s8 =	sadd.s32 $0xFFFFE003, lr  }
0x1b: {  	s9 =	sadd.s32 $0xFFFFFEF7, lr;
	s5 =	simm.s32 $0xFFFFFFFF;
	p2 =	slt.u32 s8, $0xFFFFF086  }
0x1c: {  	p1 =	slt.u32 s9, $0xF7A;
	s5 =	simm.s32 @!p2 $0x0  }
0x1d: {  	s5 =	simm.s32 @p1 $0x1;
	p0 =	seq.s32 s7, s2  }
0x1e: {  	s7 =	smul.u32 @!p0 $0xF7A, s2;
	p2 =	seq.s32 @!p0 s5, $0x0  }
0x1f: {  	s9 =	smul.u32 $0xF7A, s1;
	s8 =	simm.s32 @!p0 $0x1BF5;
	p2 =	por !p2, p0  }
0x20: {  	[sflag:s8] =	ssyncset.s32 @!p0 $0xFFFFF086;
	s6 =	sadd.s32 @!p0 s3, s7;
	s7 =	simm.s32 @!p0 $0x108  }
0x21: {  	s3 =	sadd.s32 s3, s9;
	s6 =	sadd.s32 @!p0 $0x88, s6;
	s7 =	simm.s32 @p2 $0x1082  }
0x22: {  	[simem:s7], [sflag:s8] =	dma.local @!p0 [hbm:s6], $0xF7A  }
0x23: {  	s9 =	sor.u32 $0xD0000000, s2;
	s6 =	simm.s32 $0x108;
	_ =	swait.ge @!p0 [sflag:s8], $0x0  }
0x24: {  	s3 =	sadd.s32 $0x88, s3;
	s6 =	simm.s32 @!p1 $0x1082;
	[sflag:s4] =	ssyncset.s32 $0xFFFFF086  }
0x25: {  	[simem:s6], [sflag:s4] =	dma.local [hbm:s3], $0xF7A  }
0x26: {  	[smem:$0x3F97] =	sst s1;
	(tag) =	ssettag s2;
	_ =	strace s9  }
0x27: {  	s1 =	sld [smem:$0x3FA7]  }
0x28: {  	s2 =	sld [smem:$0x3FA8]  }
0x29: {  	s4 =	sld [smem:$0x3FAA]  }
0x2a: {  	p0 =	seq.s32 s5, $0x0;
	s5 =	sld [smem:$0x3FAB]  }
0x2b: {  	s6 =	sld [smem:$0x3FAC]  }
0x2c: {  	s7 =	sld [smem:$0x3FAD]  }
0x2d: {  	s3 =	simm.s32 $0x108;
	s8 =	sld [smem:$0x3FAE]  }
0x2e: {  	s3 =	simm.s32 @!p0 $0x1082;
	s9 =	sld [smem:$0x3FAF]  }
0x2f: {  	lr =	sadd.s32 s0, s3;
	s0 =	sld [smem:$0x3FA6]  }
0x30: {  	s3 =	sld [smem:$0x3FA9]  }
0x31: {  	[smem:$0x3FB2] =	sst s10  }
0x32: {  	s10 =	sld [smem:$0x3FB0];
	_ =	sdelay $0x3  }
0x33: {  	p0 =	seq.s32 s10, $0x1;
	s10 =	sld [smem:$0x3FB2];
	_ =	sdelay $0x3  }
0x34: {  	[smem:$0x3FB2] =	sst s10  }
0x35: {  	s10 =	sld [smem:$0x3FB1];
	_ =	sdelay $0x3  }
0x36: {  	p1 =	seq.s32 s10, $0x1;
	s10 =	sld [smem:$0x3FB2];
	_ =	sdelay $0x3  }
0x37: {  	[smem:$0x3FB2] =	sst s10  }
0x38: {  	s10 =	sld [smem:$0x3FB3]  }
0x39: {  	_ = 	snop;
	(pc) =	sbr.ind lr, $3  }
0x3a: {  	_ = 	snop  }
0x3b: {  	_ = 	snop  }
0x3c: {  	p2 =	seq.s32 s10, $0x1;
	s10 =	sld [smem:$0x3FB2]  }
0x3d: {  	_ =	shalt  }
0x3e: {  	_ =	shalt  }
0x3f: {  	_ =	shalt  }
0x40: {  	_ =	shalt  }
0x41: {  	_ =	shalt  }
0x42: {  	_ =	shalt  }
0x43: {  	_ =	shalt  }
0x44: {  	_ =	shalt  }
0x45: {  	_ =	shalt  }
0x46: {  	_ =	shalt  }
0x47: {  	_ =	shalt  }
0x48: {  	_ =	shalt  }
0x49: {  	_ =	shalt  }
0x4a: {  	_ =	shalt  }
0x4b: {  	_ =	shalt  }
0x4c: {  	_ =	shalt  }
0x4d: {  	_ =	shalt  }
0x4e: {  	_ =	shalt  }
0x4f: {  	_ =	shalt  }
0x50: {  	_ =	shalt  }
0x51: {  	_ =	shalt  }
0x52: {  	_ =	shalt  }
0x53: {  	_ =	shalt  }
0x54: {  	_ =	shalt  }
0x55: {  	_ =	shalt  }
0x56: {  	_ =	shalt  }
0x57: {  	_ =	shalt  }
0x58: {  	_ =	shalt  }
0x59: {  	_ =	shalt  }
0x5a: {  	_ =	shalt  }
0x5b: {  	_ =	shalt  }
0x5c: {  	_ =	shalt  }
0x5d: {  	_ =	shalt  }
0x5e: {  	_ =	shalt  }
0x5f: {  	_ =	shalt  }
0x60: {  	_ =	shalt  }
0x61: {  	_ =	shalt  }
0x62: {  	_ =	shalt  }
0x63: {  	_ =	shalt  }
0x64: {  	_ =	shalt  }
0x65: {  	_ =	shalt  }
0x66: {  	_ =	shalt  }
0x67: {  	_ =	shalt  }
0x68: {  	_ =	shalt  }
0x69: {  	_ =	shalt  }
0x6a: {  	_ =	shalt  }
0x6b: {  	_ =	shalt  }
0x6c: {  	_ =	shalt  }
0x6d: {  	_ =	shalt  }
0x6e: {  	_ =	shalt  }
0x6f: {  	_ =	shalt  }
0x70: {  	_ =	shalt  }
0x71: {  	_ =	shalt  }
0x72: {  	_ =	shalt  }
0x73: {  	_ =	shalt  }
0x74: {  	_ =	shalt  }
0x75: {  	_ =	shalt  }
0x76: {  	_ =	shalt  }
0x77: {  	_ =	shalt  }
0x78: {  	_ =	shalt  }
0x79: {  	_ =	shalt  }
0x7a: {  	_ =	shalt  }
0x7b: {  	_ =	shalt  }
0x7c: {  	_ =	shalt  }
0x7d: {  	_ =	shalt  }
0x7e: {  	_ =	shalt  }
0x7f: {  	_ =	shalt  }
0x80: {  	_ =	shalt  }
0x81: {  	_ =	shalt  }
0x82: {  	_ =	shalt  }
0x83: {  	_ =	shalt  }
0x84: {  	_ =	shalt  }
0x85: {  	_ =	shalt  }
0x86: {  	_ =	shalt  }
0x87: {  	_ =	shalt  }
.Lfunc_end0:
.L_simem_size_0:
called_computation_lowered:
.L_overlay_start_0:
0x88: {  	s2 =	sld [smem:$0x3FD9]  }
0x89: {  	s3 =	sld [smem:$0x3FFE];
	_ =	sdelay $0x1  }
0x8a: {  	s1 =	srdreg.scid  }
0x8b: {  	s0 =	sand.u32 $0x1, s1  }
0x8c: {  	s17 =	sshll.u32 s0, $0xA;
	s2 =	sadd.s32 s3, s2  }
0x8d: {  	s2 =	sadd.s32 s2, s17  }
0x8e: {  	[smem:$0x3FBE] =	sst s2  }
0x8f: {  	_ = 	snop  }
0x90: {  	s2 =	sld [smem:$0x3FC8];
	(tm) =	ssettm $0x1  }
0x91: {  	s18 =	sld [smem:$0x3FFB];
	_ =	sdelay $0x3  }
0x92: {  	_ =	strace s18  }
0x93: {  	s3 =	sld [smem:$0x3FFC];
	_ =	sdelay $0x3  }
0x94: {  	_ =	strace s3  }
0x95: {  	s3 =	sld [smem:$0x3FFD];
	_ =	sdelay $0x3  }
0x96: {  	_ =	strace s3  }
0x97: {  	_ =	strace $0x8FFFFFFF  }
0x98: {  	s19 =	sld [smem:$0x3FDB];
	_ =	sdelay $0x1  }
0x99: {  	s4 =	simm.s32 $_scs_section_size  }
0x9a: {  	s5 =	simm.s32 $_size__tile_overlayer_lowered;
	s6 =	simm.s32 $_tile_overlayer_lowered  }
0x9b: {  	s22 =	simm.s32 $0x1BFF;
	s21 =	sshll.u32 s6, $0x1;
	s3 =	sadd.s32 s4, s19  }
0x9c: {  	s7 =	simm.s32 $0x0;
	s20 =	sshll.u32 s5, $0x1;
	s5 =	sadd.s32 s21, s3  }
0x9d: {  	[timem:s7], [sflag:s22] =	dma.local [hbm:s5], s20  }
0x9e: {  	_ =	swait.ge [sflag:s22], s20  }
0x9f: {  	s4 =	ssub.s32 $0x0, s20;
	[sflag:s22] =	ssyncset.done $0x0  }
0xa0: {  	[sflag:s22] =	ssyncadd.s32 s4;
	_ =	sdelay $0x1  }
0xa1: {  	s23 =	simm.s32 $0x1B8B  }
0xa2: {  	_ =	swait.ge [sflag:s23], $0x1  }
0xa3: {  	[sflag:s23] =	ssyncset.done $0x0  }
0xa4: {  	s25 =	simm.s32 $0x1B8E;
	s24 =	sld [smem:$0x3FFE];
	[sflag:s23] =	ssyncadd.s32 $0xFFFFFFFF  }
0xa5: {  	s26 =	simm.s32 $execute0_lowered;
	[smem:$0x3FD2] =	sst s25  }
0xa6: {  	s5 =	sshll.u32 s26, $0x1;
	_ =	strace $0x80000046;
	[dreg:$0x1] =	wrdreg $0xFFFFFFFF  }
0xa7: {  	s28 =	simm.s32 $_size_execute0_lowered;
	s3 =	sadd.s32 s3, s5;
	[dreg:$0x0] =	wrdreg $0x0  }
0xa8: {  	s5 =	sshll.u32 s28, $0x1;
	[dreg:$0x2] =	wrdreg s3  }
0xa9: {  	[dreg:$0x3] =	wrdreg s5  }
0xaa: {  	[dreg:$0x4] =	wrdreg $0xC0  }
0xab: {  	_ =	task [dreg:s7], $0x5FFFF  }
0xac: {  	[dreg:$0x1] =	wrdreg $0xFFFFFFFF  }
0xad: {  	[dreg:$0x0] =	wrdreg $0x60  }
0xae: {  	[dreg:$0x2] =	wrdreg s2  }
0xaf: {  	[dreg:$0x3] =	wrdreg s24  }
0xb0: {  	[dreg:$0x4] =	wrdreg $0x9  }
0xb1: {  	_ =	task.clear_ibuf [dreg:s7], $0x5FFFF;
	_ =	strace $0x90000046  }
0xb2: {  	s29 =	simm.s32 $0x9;
	_ =	strace $0x80000048  }
0xb3: {  	_ =	swait.ge [sflag:s29], $0x1  }
0xb4: {  	[sflag:s29] =	ssyncadd.s32 $0xFFFFFFFF  }
0xb5: {  	_ =	strace $0x90000048  }
0xb6: {  	_ =	sfence  }
0xb7: {  	s30 =	sld [smem:$0x0];
	_ =	sdelay $0x2  }
0xb8: {  	s31 =	sshll.u32 s1, $0xD;
	s1 =	sshrl.u32 s1, $0x2  }
0xb9: {  	s3 =	sand.u32 $0x4000, s31;
	s1 =	sadd.s32 s1, s30  }
0xba: {  	s0 =	sor.u32 s3, s0;
	s1 =	sshll.u32 s1, $0x11  }
0xbb: {  	s0 =	sor.u32 s1, s0  }
0xbc: {  	s0 =	sadd.s32 $0x8F2B, s0  }
0xbd: {  	[sflag:s0] =	ssyncadd.remote.s32 $0x1  }
0xbe: {  	_ =	sfence.sel $0xFFFF  }
0xbf: {  	[dreg:$0x0] =	wrdreg $0xFFFFFFFF;
	(pc) =	sbr.abs _section_cstart, $3  }
0xc0: {  	[dreg:$0x1] =	wrdreg $0xFFFFFFFF  }
0xc1: {  	_ =	task.clear_ibuf [dreg:s7], $0x2FFFF;
	_ =	strace $0x9FFFFFFF  }
0xc2: {  	(tm) =	ssettm $0x7FFFFFFF  }
0xc3: {  	_ =	shalt  }
tec
execute0_lowered:
.L_overlay_start_1:
0x0: {  	(tag) =	ssettag $0x1  }
0x1: {  	s2 =	rddreg [dreg:$0x0]  }
0x2: {  	s4 =	rddreg [dreg:$0x1]  }
0x3: {  	s5 =	srdreg.scid;
	s1 =	stileid.u32  }
0x4: {  	s0 =	rddreg [dreg:$0x2];
	s5 =	sand.u32 $0x1, s5;
	s6 =	sshll.u32 s1, $0x1  }
0x5: {  	s3 =	simm.s32 $0x0;
	s14 =	simm.s32 $0x0;
	s6 =	sor.u32 s5, s6  }
0x6: {  	[smem:$0x7FF] =	sst s3;
	s11 =	sadd.s32 $0xC36200, s4;
	s7 =	smul.u32 $0x3100, s6  }
0x7: {  	s5 =	ssub.s32 $0x2, s5;
	s8 =	sor.u32 $0x20, s6;
	s12 =	smul.u32 $0x620, s6  }
0x8: {  	_ =	strace $0x80000047;
	s9 =	sshrl.u32 s5, $0x1;
	s10 =	smul.u32 $0x3100, s8  }
0x9: {  	s9 =	ssub.s32 s5, s9;
	s13 =	smul.u32 $0x620, s8;
	s8 =	simm.s32 $0x1  }
0xa: {  	s4 =	sadd.s32 s11, s7;
	s6 =	smax.u32 s9, $0x1;
	s7 =	simm.s32 $0x18800  }
0xb: {  	v2 =	vimm.f32 $0.0e+00;
	v0 =	vmov s12;
	s9 =	simm.s32 $0x19480;
	s12 =	simm.s32 $0x2;
	s5 =	sadd.s32 s11, s10  }
0xc: {  	v3 =	vimm.s32 $0x0;
	v4 =	vlaneseq.u32;
	v1 =	vmov s13;
	s10 =	simm.s32 $0x1A100;
	s11 =	simm.s32 $0x1B5A0;
	s13 =	simm.s32 $0x3  }
.LBB2_1:
0xd: {  	s15 =	simm.s32 $0x0  }
.LBB2_2:
0xe: {  	p0 =	sne.s32 s15, $0x61FC0  }
.Ltmp0:
0xf: {  	_ = 	snop;
	(pc) =	sbr.rel @p0 .LBB2_2-.Ltmp0, $3  }
0x10: {  	_ =	sdelay $0x1  }
0x11: {  	s16 =	sshra.s32 s15, $0x2  }
0x12: {  	s15 =	sadd.s32 $0x40, s15;
	[tilespmem:s16+$0x0] =	vst v2  }
0x13: {  	s15 =	simm.s32 $0x40;
	s16 =	simm.s32 $0x0  }
.LBB2_4:
0x14: {  	p0 =	sne.s32 s15, $0x5240;
	[tilespmem:s16+$0x1A100] =	vst v3;
	s16 =	smov.u32 s15;
	s15 =	sadd.s32 $0x40, s15  }
.Ltmp1:
0x15: {  	(pc) =	sbr.rel @p0 .LBB2_4-.Ltmp1, $2  }
0x16: {  	_ =	sdelay $0x2  }
0x17: {  	s16 =	sshra.s32 s16, $0x2  }
0x18: {  	[tilespmem:s16+$0x1A100] =	vst v3;
	s15 =	simm.s32 $0x0  }
0x19: {  	v6 =	vimm.s32 $0x0;
	[tilespmem:s7], [sflag:$0x1] =	stream.linear.gather [hbm4b:s2+s15], $0xC80, $0x38;
	[tilespmem:$0x1CA40] =	vst v63  }
.LBB2_6:
0x1a: {  	s16 =	sshllo.u32 s15, $0x1  }
0x1b: {  	_ =	swait.ge [sflag:s8], $0xC80;
	s18 =	smul.u32 $0x190, s16  }
0x1c: {  	[sflag:s8] =	ssyncset.done $0x0  }
0x1d: {  	s17 =	smul.u32 $0x1900, s15;
	[sflag:s8] =	ssyncadd.s32 $0xFFFFF380;
	s18 =	sadd.s32 s2, s18  }
0x1e: {  	[tilespmem:s9], [sflag:$0x2] =	stream.linear.gather [hbm4b:s18+s3], $0xC80, $0x38;
	[tilespmem:$0x1CA40] =	vst v63  }
0x1f: {  	s19 =	simm.s32 $0x18820;
	v5 =	vor.u32 s17, v4;
	s18 =	simm.s32 $0x30  }
.LBB2_7:
0x20: {  	v7 =	vld [tilespmem:s19+$0xFFFFFFE0];
	_ =	sdelay $0x4  }
0x21: {  	v7 =	vsub.s32 v7, v0  }
0x22: {  	vm0 =	vlt.u32 v7, $0x620  }
0x23: {  	v8 =	vsel vm0, $0x1, v3  }
0x24: {  	(xrf0) =	vadd.scan.msk.s32 $0xffff, v8;
	_ =	sdelay $0x5  }
0x25: {  	v8, _, _ =	vpop (xrf0)  }
0x26: {  	v8 =	vadd.s32 v8, v6  }
0x27: {  	v8 =	vadd.s32 $0xFFFFFFFF, v8  }
0x28: {  	vm1 =	vgt.s32 v8, $0x0  }
0x29: {  	v8 =	vnsel vm1, $0x0, v8;
	_ =	sdelay $0x2  }
0x2a: {  	s20 =	sadd.s32 $0xFFFFFFD0, s18  }
0x2b: {  	v9 =	vadd.s32 s20, v5  }
0x2c: {  	[tilespmem:v8+s10+$0x0] =	vst.idx.msk vm0, v9  }
0x2d: {  	[tilespmem:v8+s11+$0x0] =	vst.idx.msk vm0, v7  }
0x2e: {  	v7 =	vld [tilespmem:s19+$0xFFFFFFF0];
	_ =	sdelay $0x4  }
0x2f: {  	v7 =	vsub.s32 v7, v0  }
0x30: {  	vm10 =	vlt.u32 v7, $0x620  }
0x31: {  	v8 =	vsel vm10, $0x1, v3  }
0x32: {  	(xrf0) =	vadd.scan.msk.s32 $0xffff, v8;
	_ =	sdelay $0x1  }
0x33: {  	v8 =	vmpcnt.ones.xlane vm0;
	_ =	sdelay $0x3  }
0x34: {  	v6 =	vadd.s32 v6, v8;
	v8, _, _ =	vpop (xrf0)  }
0x35: {  	v8 =	vadd.s32 v8, v6  }
0x36: {  	v8 =	vadd.s32 $0xFFFFFFFF, v8  }
0x37: {  	vm11 =	vgt.s32 v8, $0x0  }
0x38: {  	v8 =	vnsel vm11, $0x0, v8;
	_ =	sdelay $0x2  }
0x39: {  	s30 =	sadd.s32 $0xFFFFFFE0, s18  }
0x3a: {  	v61 =	vadd.s32 s30, v5  }
0x3b: {  	[tilespmem:v8+s10+$0x0] =	vst.idx.msk vm10, v61  }
0x3c: {  	[tilespmem:v8+s11+$0x0] =	vst.idx.msk vm10, v7  }
0x3d: {  	v7 =	vld [tilespmem:s19+$0x0];
	_ =	sdelay $0x4  }
0x3e: {  	v7 =	vsub.s32 v7, v0  }
0x3f: {  	vm12 =	vlt.u32 v7, $0x620  }
0x40: {  	v8 =	vsel vm12, $0x1, v3  }
0x41: {  	(xrf0) =	vadd.scan.msk.s32 $0xffff, v8;
	_ =	sdelay $0x1  }
0x42: {  	v8 =	vmpcnt.ones.xlane vm10;
	_ =	sdelay $0x3  }
0x43: {  	v6 =	vadd.s32 v6, v8;
	v8, _, _ =	vpop (xrf0)  }
0x44: {  	v8 =	vadd.s32 v8, v6  }
0x45: {  	v8 =	vadd.s32 $0xFFFFFFFF, v8  }
0x46: {  	vm13 =	vgt.s32 v8, $0x0  }
0x47: {  	v8 =	vnsel vm13, $0x0, v8;
	_ =	sdelay $0x2  }
0x48: {  	s31 =	sadd.s32 $0xFFFFFFF0, s18  }
0x49: {  	v62 =	vadd.s32 s31, v5  }
0x4a: {  	[tilespmem:v8+s10+$0x0] =	vst.idx.msk vm12, v62  }
0x4b: {  	[tilespmem:v8+s11+$0x0] =	vst.idx.msk vm12, v7  }
0x4c: {  	v7 =	vld [tilespmem:s19+$0x10];
	_ =	sdelay $0x4  }
0x4d: {  	v7 =	vsub.s32 v7, v0  }
0x4e: {  	vm14 =	vlt.u32 v7, $0x620  }
0x4f: {  	v8 =	vsel vm14, $0x1, v3  }
0x50: {  	(xrf0) =	vadd.scan.msk.s32 $0xffff, v8;
	_ =	sdelay $0x1  }
0x51: {  	v8 =	vmpcnt.ones.xlane vm12;
	_ =	sdelay $0x3  }
0x52: {  	v6 =	vadd.s32 v6, v8;
	v8, _, _ =	vpop (xrf0)  }
0x53: {  	v8 =	vadd.s32 v8, v6  }
0x54: {  	v8 =	vadd.s32 $0xFFFFFFFF, v8  }
0x55: {  	vm15 =	vgt.s32 v8, $0x0  }
0x56: {  	v8 =	vnsel vm15, $0x0, v8  }
0x57: {  	p0 =	sne.s32 s18, $0xC70  }
.Ltmp2:
0x58: {  	_ = 	snop;
	(pc) =	sbr.rel @p0 .LBB2_7-.Ltmp2, $4  }
0x59: {  	_ = 	snop  }
0x5a: {  	v10 =	vadd.s32 s18, v5;
	v63 =	vmpcnt.ones.xlane vm14  }
0x5b: {  	[tilespmem:v8+s10+$0x0] =	vst.idx.msk vm14, v10  }
0x5c: {  	s18 =	sadd.s32 $0x40, s18;
	s19 =	sadd.s32 $0x40, s19;
	v6 =	vadd.s32 v6, v63;
	[tilespmem:v8+s11+$0x0] =	vst.idx.msk vm14, v7  }
0x5d: {  	(v2sf) =	vpush v6, $0x0;
	_ =	sdelay $0xe  }
0x5e: {  	p0 =	seq.s32 s15, $0xF9;
	s16 =	smul.u32 $0xC80, s16;
	s18 =	spop (v2sf)  }
0x5f: {  	s17 =	sshrl.u32 @!p0 s17, $0x3;
	s19 =	simm.s32 @!p0 $0x0;
	_ =	swait.ge [sflag:s12], $0xC80  }
0x60: {  	s20 =	simm.s32 @!p0 $0x18800;
	s17 =	sadd.s32 @!p0 s2, s17;
	[sflag:s12] =	ssyncset.done $0x0  }
0x61: {  	s17 =	sadd.s32 @!p0 $0x320, s17;
	p6 =	sgt.s32 s18, $0x7FF;
	[sflag:s12] =	ssyncadd.s32 $0xFFFFF380  }
0x62: {  	[tilespmem:s20], [sflag:$0x1] =	stream.linear.gather @!p0 [hbm4b:s17+s19], $0xC80, $0x38;
	[tilespmem:$0x1CA40] =	vst v63  }
0x63: {  	v5 =	vor.u32 s16, v4;
	s16 =	simm.s32 $0x30;
	v6 =	vpsel p6, $0x0, v6;
	s17 =	simm.s32 $0x194A0  }
.LBB2_9:
0x64: {  	v7 =	vld [tilespmem:s17+$0xFFFFFFE0];
	_ =	sdelay $0x4  }
0x65: {  	v7 =	vsub.s32 v7, v0  }
0x66: {  	vm0 =	vlt.u32 v7, $0x620  }
0x67: {  	v8 =	vsel vm0, $0x1, v3  }
0x68: {  	(xrf0) =	vadd.scan.msk.s32 $0xffff, v8;
	_ =	sdelay $0x5  }
0x69: {  	v8, _, _ =	vpop (xrf0)  }
0x6a: {  	v8 =	vadd.s32 v8, v6  }
0x6b: {  	v8 =	vadd.s32 $0xFFFFFFFF, v8  }
0x6c: {  	vm1 =	vgt.s32 v8, $0x0  }
0x6d: {  	v8 =	vnsel vm1, $0x0, v8;
	_ =	sdelay $0x2  }
0x6e: {  	s18 =	sadd.s32 $0xFFFFFFD0, s16  }
0x6f: {  	v9 =	vadd.s32 s18, v5  }
0x70: {  	[tilespmem:v8+s10+$0x0] =	vst.idx.msk vm0, v9  }
0x71: {  	[tilespmem:v8+s11+$0x0] =	vst.idx.msk vm0, v7  }
0x72: {  	v7 =	vld [tilespmem:s17+$0xFFFFFFF0];
	_ =	sdelay $0x4  }
0x73: {  	v7 =	vsub.s32 v7, v0  }
0x74: {  	vm10 =	vlt.u32 v7, $0x620  }
0x75: {  	v8 =	vsel vm10, $0x1, v3  }
0x76: {  	(xrf0) =	vadd.scan.msk.s32 $0xffff, v8;
	_ =	sdelay $0x1  }
0x77: {  	v8 =	vmpcnt.ones.xlane vm0;
	_ =	sdelay $0x3  }
0x78: {  	v6 =	vadd.s32 v6, v8;
	v8, _, _ =	vpop (xrf0)  }
0x79: {  	v8 =	vadd.s32 v8, v6  }
0x7a: {  	v8 =	vadd.s32 $0xFFFFFFFF, v8  }
0x7b: {  	vm11 =	vgt.s32 v8, $0x0  }
0x7c: {  	v8 =	vnsel vm11, $0x0, v8;
	_ =	sdelay $0x2  }
0x7d: {  	s30 =	sadd.s32 $0xFFFFFFE0, s16  }
0x7e: {  	v61 =	vadd.s32 s30, v5  }
0x7f: {  	[tilespmem:v8+s10+$0x0] =	vst.idx.msk vm10, v61  }
0x80: {  	[tilespmem:v8+s11+$0x0] =	vst.idx.msk vm10, v7  }
0x81: {  	v7 =	vld [tilespmem:s17+$0x0];
	_ =	sdelay $0x4  }
0x82: {  	v7 =	vsub.s32 v7, v0  }
0x83: {  	vm12 =	vlt.u32 v7, $0x620  }
0x84: {  	v8 =	vsel vm12, $0x1, v3  }
0x85: {  	(xrf0) =	vadd.scan.msk.s32 $0xffff, v8;
	_ =	sdelay $0x1  }
0x86: {  	v8 =	vmpcnt.ones.xlane vm10;
	_ =	sdelay $0x3  }
0x87: {  	v6 =	vadd.s32 v6, v8;
	v8, _, _ =	vpop (xrf0)  }
0x88: {  	v8 =	vadd.s32 v8, v6  }
0x89: {  	v8 =	vadd.s32 $0xFFFFFFFF, v8  }
0x8a: {  	vm13 =	vgt.s32 v8, $0x0  }
0x8b: {  	v8 =	vnsel vm13, $0x0, v8;
	_ =	sdelay $0x2  }
0x8c: {  	s31 =	sadd.s32 $0xFFFFFFF0, s16  }
0x8d: {  	v62 =	vadd.s32 s31, v5  }
0x8e: {  	[tilespmem:v8+s10+$0x0] =	vst.idx.msk vm12, v62  }
0x8f: {  	[tilespmem:v8+s11+$0x0] =	vst.idx.msk vm12, v7  }
0x90: {  	v7 =	vld [tilespmem:s17+$0x10];
	_ =	sdelay $0x4  }
0x91: {  	v7 =	vsub.s32 v7, v0  }
0x92: {  	vm14 =	vlt.u32 v7, $0x620  }
0x93: {  	v8 =	vsel vm14, $0x1, v3  }
0x94: {  	(xrf0) =	vadd.scan.msk.s32 $0xffff, v8;
	_ =	sdelay $0x1  }
0x95: {  	v8 =	vmpcnt.ones.xlane vm12;
	_ =	sdelay $0x3  }
0x96: {  	v6 =	vadd.s32 v6, v8;
	v8, _, _ =	vpop (xrf0)  }
0x97: {  	v8 =	vadd.s32 v8, v6  }
0x98: {  	v8 =	vadd.s32 $0xFFFFFFFF, v8  }
0x99: {  	vm15 =	vgt.s32 v8, $0x0  }
0x9a: {  	v8 =	vnsel vm15, $0x0, v8  }
0x9b: {  	p0 =	sne.s32 s16, $0xC70  }
.Ltmp3:
0x9c: {  	_ = 	snop;
	(pc) =	sbr.rel @p0 .LBB2_9-.Ltmp3, $4  }
0x9d: {  	_ = 	snop  }
0x9e: {  	v10 =	vadd.s32 s16, v5;
	v63 =	vmpcnt.ones.xlane vm14  }
0x9f: {  	[tilespmem:v8+s10+$0x0] =	vst.idx.msk vm14, v10  }
0xa0: {  	s16 =	sadd.s32 $0x40, s16;
	s17 =	sadd.s32 $0x40, s17;
	v6 =	vadd.s32 v6, v63;
	[tilespmem:v8+s11+$0x0] =	vst.idx.msk vm14, v7  }
0xa1: {  	(v2sf) =	vpush v6, $0x0;
	_ =	sdelay $0xa  }
0xa2: {  	s15 =	sadd.s32 $0x1, s15  }
0xa3: {  	p1 =	sne.s32 s15, $0xFA  }
.Ltmp4:
0xa4: {  	_ = 	snop;
	(pc) =	sbr.rel @p1 .LBB2_6-.Ltmp4, $4  }
0xa5: {  	_ = 	snop  }
0xa6: {  	s16 =	spop (v2sf)  }
0xa7: {  	p0 =	sgt.s32 s16, $0x7FF  }
0xa8: {  	v6 =	vpsel p0, $0x0, v6  }
0xa9: {  	s15 =	simm.s32 $0x0  }
0xaa: {  	[hbm4b:s4+s15] =	stream.linear.scatter [tilespmem:s15], [sflag:$0x3], $0x18800, $0x38;
	[tilespmem:$0x1CA40] =	vst v63  }
0xab: {  	_ =	swait.ge [sflag:s13], $0x18800  }
0xac: {  	[sflag:s13] =	ssyncset.done $0x0  }
0xad: {  	s16 =	simm.s32 $0x0;
	s15 =	simm.s32 $0x40;
	[sflag:s13] =	ssyncadd.s32 $0xFFFE7800  }
.LBB2_12:
0xae: {  	p0 =	sne.s32 s15, $0x61FC0;
	[tilespmem:s16+$0x0] =	vst v2;
	s16 =	smov.u32 s15;
	s15 =	sadd.s32 $0x40, s15  }
.Ltmp5:
0xaf: {  	(pc) =	sbr.rel @p0 .LBB2_12-.Ltmp5, $2  }
0xb0: {  	_ =	sdelay $0x2  }
0xb1: {  	s16 =	sshra.s32 s16, $0x2  }
0xb2: {  	[tilespmem:s16+$0x0] =	vst v2;
	s15 =	simm.s32 $0x40;
	s16 =	simm.s32 $0x0  }
.LBB2_14:
0xb3: {  	p0 =	sne.s32 s15, $0x5240;
	[tilespmem:s16+$0x1A100] =	vst v3;
	s16 =	smov.u32 s15;
	s15 =	sadd.s32 $0x40, s15  }
.Ltmp6:
0xb4: {  	(pc) =	sbr.rel @p0 .LBB2_14-.Ltmp6, $2  }
0xb5: {  	_ =	sdelay $0x2  }
0xb6: {  	s16 =	sshra.s32 s16, $0x2  }
0xb7: {  	[tilespmem:s16+$0x1A100] =	vst v3;
	s15 =	simm.s32 $0x0  }
0xb8: {  	v6 =	vimm.s32 $0x0;
	[tilespmem:s7], [sflag:$0x1] =	stream.linear.gather [hbm4b:s2+s15], $0xC80, $0x38;
	[tilespmem:$0x1CA40] =	vst v63  }
.LBB2_16:
0xb9: {  	s16 =	sshllo.u32 s15, $0x1  }
0xba: {  	_ =	swait.ge [sflag:s8], $0xC80;
	s18 =	smul.u32 $0x190, s16  }
0xbb: {  	[sflag:s8] =	ssyncset.done $0x0  }
0xbc: {  	s17 =	smul.u32 $0x1900, s15;
	[sflag:s8] =	ssyncadd.s32 $0xFFFFF380;
	s18 =	sadd.s32 s2, s18  }
0xbd: {  	[tilespmem:s9], [sflag:$0x2] =	stream.linear.gather [hbm4b:s18+s3], $0xC80, $0x38;
	[tilespmem:$0x1CA40] =	vst v63  }
0xbe: {  	s19 =	simm.s32 $0x18820;
	v5 =	vor.u32 s17, v4;
	s18 =	simm.s32 $0x30  }
.LBB2_17:
0xbf: {  	v7 =	vld [tilespmem:s19+$0xFFFFFFE0];
	_ =	sdelay $0x4  }
0xc0: {  	v7 =	vsub.s32 v7, v1  }
0xc1: {  	vm0 =	vlt.u32 v7, $0x620  }
0xc2: {  	v8 =	vsel vm0, $0x1, v3  }
0xc3: {  	(xrf0) =	vadd.scan.msk.s32 $0xffff, v8;
	_ =	sdelay $0x5  }
0xc4: {  	v8, _, _ =	vpop (xrf0)  }
0xc5: {  	v8 =	vadd.s32 v8, v6  }
0xc6: {  	v8 =	vadd.s32 $0xFFFFFFFF, v8  }
0xc7: {  	vm1 =	vgt.s32 v8, $0x0  }
0xc8: {  	v8 =	vnsel vm1, $0x0, v8;
	_ =	sdelay $0x2  }
0xc9: {  	s20 =	sadd.s32 $0xFFFFFFD0, s18  }
0xca: {  	v9 =	vadd.s32 s20, v5  }
0xcb: {  	[tilespmem:v8+s10+$0x0] =	vst.idx.msk vm0, v9  }
0xcc: {  	[tilespmem:v8+s11+$0x0] =	vst.idx.msk vm0, v7  }
0xcd: {  	v7 =	vld [tilespmem:s19+$0xFFFFFFF0];
	_ =	sdelay $0x4  }
0xce: {  	v7 =	vsub.s32 v7, v1  }
0xcf: {  	vm10 =	vlt.u32 v7, $0x620  }
0xd0: {  	v8 =	vsel vm10, $0x1, v3  }
0xd1: {  	(xrf0) =	vadd.scan.msk.s32 $0xffff, v8;
	_ =	sdelay $0x1  }
0xd2: {  	v8 =	vmpcnt.ones.xlane vm0;
	_ =	sdelay $0x3  }
0xd3: {  	v6 =	vadd.s32 v6, v8;
	v8, _, _ =	vpop (xrf0)  }
0xd4: {  	v8 =	vadd.s32 v8, v6  }
0xd5: {  	v8 =	vadd.s32 $0xFFFFFFFF, v8  }
0xd6: {  	vm11 =	vgt.s32 v8, $0x0  }
0xd7: {  	v8 =	vnsel vm11, $0x0, v8;
	_ =	sdelay $0x2  }
0xd8: {  	s30 =	sadd.s32 $0xFFFFFFE0, s18  }
0xd9: {  	v61 =	vadd.s32 s30, v5  }
0xda: {  	[tilespmem:v8+s10+$0x0] =	vst.idx.msk vm10, v61  }
0xdb: {  	[tilespmem:v8+s11+$0x0] =	vst.idx.msk vm10, v7  }
0xdc: {  	v7 =	vld [tilespmem:s19+$0x0];
	_ =	sdelay $0x4  }
0xdd: {  	v7 =	vsub.s32 v7, v1  }
0xde: {  	vm12 =	vlt.u32 v7, $0x620  }
0xdf: {  	v8 =	vsel vm12, $0x1, v3  }
0xe0: {  	(xrf0) =	vadd.scan.msk.s32 $0xffff, v8;
	_ =	sdelay $0x1  }
0xe1: {  	v8 =	vmpcnt.ones.xlane vm10;
	_ =	sdelay $0x3  }
0xe2: {  	v6 =	vadd.s32 v6, v8;
	v8, _, _ =	vpop (xrf0)  }
0xe3: {  	v8 =	vadd.s32 v8, v6  }
0xe4: {  	v8 =	vadd.s32 $0xFFFFFFFF, v8  }
0xe5: {  	vm13 =	vgt.s32 v8, $0x0  }
0xe6: {  	v8 =	vnsel vm13, $0x0, v8;
	_ =	sdelay $0x2  }
0xe7: {  	s31 =	sadd.s32 $0xFFFFFFF0, s18  }
0xe8: {  	v62 =	vadd.s32 s31, v5  }
0xe9: {  	[tilespmem:v8+s10+$0x0] =	vst.idx.msk vm12, v62  }
0xea: {  	[tilespmem:v8+s11+$0x0] =	vst.idx.msk vm12, v7  }
0xeb: {  	v7 =	vld [tilespmem:s19+$0x10];
	_ =	sdelay $0x4  }
0xec: {  	v7 =	vsub.s32 v7, v1  }
0xed: {  	vm14 =	vlt.u32 v7, $0x620  }
0xee: {  	v8 =	vsel vm14, $0x1, v3  }
0xef: {  	(xrf0) =	vadd.scan.msk.s32 $0xffff, v8;
	_ =	sdelay $0x1  }
0xf0: {  	v8 =	vmpcnt.ones.xlane vm12;
	_ =	sdelay $0x3  }
0xf1: {  	v6 =	vadd.s32 v6, v8;
	v8, _, _ =	vpop (xrf0)  }
0xf2: {  	v8 =	vadd.s32 v8, v6  }
0xf3: {  	v8 =	vadd.s32 $0xFFFFFFFF, v8  }
0xf4: {  	vm15 =	vgt.s32 v8, $0x0  }
0xf5: {  	v8 =	vnsel vm15, $0x0, v8  }
0xf6: {  	p0 =	sne.s32 s18, $0xC70  }
.Ltmp7:
0xf7: {  	_ = 	snop;
	(pc) =	sbr.rel @p0 .LBB2_17-.Ltmp7, $4  }
0xf8: {  	_ = 	snop  }
0xf9: {  	v10 =	vadd.s32 s18, v5;
	v63 =	vmpcnt.ones.xlane vm14  }
0xfa: {  	[tilespmem:v8+s10+$0x0] =	vst.idx.msk vm14, v10  }
0xfb: {  	s18 =	sadd.s32 $0x40, s18;
	s19 =	sadd.s32 $0x40, s19;
	v6 =	vadd.s32 v6, v63;
	[tilespmem:v8+s11+$0x0] =	vst.idx.msk vm14, v7  }
0xfc: {  	(v2sf) =	vpush v6, $0x0;
	_ =	sdelay $0xe  }
0xfd: {  	p0 =	seq.s32 s15, $0xF9;
	s16 =	smul.u32 $0xC80, s16;
	s18 =	spop (v2sf)  }
0xfe: {  	s17 =	sshrl.u32 @!p0 s17, $0x3;
	s19 =	simm.s32 @!p0 $0x0;
	_ =	swait.ge [sflag:s12], $0xC80  }
0xff: {  	s20 =	simm.s32 @!p0 $0x18800;
	s17 =	sadd.s32 @!p0 s2, s17;
	[sflag:s12] =	ssyncset.done $0x0  }
0x100: {  	s17 =	sadd.s32 @!p0 $0x320, s17;
	p6 =	sgt.s32 s18, $0x7FF;
	[sflag:s12] =	ssyncadd.s32 $0xFFFFF380  }
0x101: {  	[tilespmem:s20], [sflag:$0x1] =	stream.linear.gather @!p0 [hbm4b:s17+s19], $0xC80, $0x38;
	[tilespmem:$0x1CA40] =	vst v63  }
0x102: {  	v5 =	vor.u32 s16, v4;
	s16 =	simm.s32 $0x30;
	v6 =	vpsel p6, $0x0, v6;
	s17 =	simm.s32 $0x194A0  }
.LBB2_19:
0x103: {  	v7 =	vld [tilespmem:s17+$0xFFFFFFE0];
	_ =	sdelay $0x4  }
0x104: {  	v7 =	vsub.s32 v7, v1  }
0x105: {  	vm0 =	vlt.u32 v7, $0x620  }
0x106: {  	v8 =	vsel vm0, $0x1, v3  }
0x107: {  	(xrf0) =	vadd.scan.msk.s32 $0xffff, v8;
	_ =	sdelay $0x5  }
0x108: {  	v8, _, _ =	vpop (xrf0)  }
0x109: {  	v8 =	vadd.s32 v8, v6  }
0x10a: {  	v8 =	vadd.s32 $0xFFFFFFFF, v8  }
0x10b: {  	vm1 =	vgt.s32 v8, $0x0  }
0x10c: {  	v8 =	vnsel vm1, $0x0, v8;
	_ =	sdelay $0x2  }
0x10d: {  	s18 =	sadd.s32 $0xFFFFFFD0, s16  }
0x10e: {  	v9 =	vadd.s32 s18, v5  }
0x10f: {  	[tilespmem:v8+s10+$0x0] =	vst.idx.msk vm0, v9  }
0x110: {  	[tilespmem:v8+s11+$0x0] =	vst.idx.msk vm0, v7  }
0x111: {  	v7 =	vld [tilespmem:s17+$0xFFFFFFF0];
	_ =	sdelay $0x4  }
0x112: {  	v7 =	vsub.s32 v7, v1  }
0x113: {  	vm10 =	vlt.u32 v7, $0x620  }
0x114: {  	v8 =	vsel vm10, $0x1, v3  }
0x115: {  	(xrf0) =	vadd.scan.msk.s32 $0xffff, v8;
	_ =	sdelay $0x1  }
0x116: {  	v8 =	vmpcnt.ones.xlane vm0;
	_ =	sdelay $0x3  }
0x117: {  	v6 =	vadd.s32 v6, v8;
	v8, _, _ =	vpop (xrf0)  }
0x118: {  	v8 =	vadd.s32 v8, v6  }
0x119: {  	v8 =	vadd.s32 $0xFFFFFFFF, v8  }
0x11a: {  	vm11 =	vgt.s32 v8, $0x0  }
0x11b: {  	v8 =	vnsel vm11, $0x0, v8;
	_ =	sdelay $0x2  }
0x11c: {  	s30 =	sadd.s32 $0xFFFFFFE0, s16  }
0x11d: {  	v61 =	vadd.s32 s30, v5  }
0x11e: {  	[tilespmem:v8+s10+$0x0] =	vst.idx.msk vm10, v61  }
0x11f: {  	[tilespmem:v8+s11+$0x0] =	vst.idx.msk vm10, v7  }
0x120: {  	v7 =	vld [tilespmem:s17+$0x0];
	_ =	sdelay $0x4  }
0x121: {  	v7 =	vsub.s32 v7, v1  }
0x122: {  	vm12 =	vlt.u32 v7, $0x620  }
0x123: {  	v8 =	vsel vm12, $0x1, v3  }
0x124: {  	(xrf0) =	vadd.scan.msk.s32 $0xffff, v8;
	_ =	sdelay $0x1  }
0x125: {  	v8 =	vmpcnt.ones.xlane vm10;
	_ =	sdelay $0x3  }
0x126: {  	v6 =	vadd.s32 v6, v8;
	v8, _, _ =	vpop (xrf0)  }
0x127: {  	v8 =	vadd.s32 v8, v6  }
0x128: {  	v8 =	vadd.s32 $0xFFFFFFFF, v8  }
0x129: {  	vm13 =	vgt.s32 v8, $0x0  }
0x12a: {  	v8 =	vnsel vm13, $0x0, v8;
	_ =	sdelay $0x2  }
0x12b: {  	s31 =	sadd.s32 $0xFFFFFFF0, s16  }
0x12c: {  	v62 =	vadd.s32 s31, v5  }
0x12d: {  	[tilespmem:v8+s10+$0x0] =	vst.idx.msk vm12, v62  }
0x12e: {  	[tilespmem:v8+s11+$0x0] =	vst.idx.msk vm12, v7  }
0x12f: {  	v7 =	vld [tilespmem:s17+$0x10];
	_ =	sdelay $0x4  }
0x130: {  	v7 =	vsub.s32 v7, v1  }
0x131: {  	vm14 =	vlt.u32 v7, $0x620  }
0x132: {  	v8 =	vsel vm14, $0x1, v3  }
0x133: {  	(xrf0) =	vadd.scan.msk.s32 $0xffff, v8;
	_ =	sdelay $0x1  }
0x134: {  	v8 =	vmpcnt.ones.xlane vm12;
	_ =	sdelay $0x3  }
0x135: {  	v6 =	vadd.s32 v6, v8;
	v8, _, _ =	vpop (xrf0)  }
0x136: {  	v8 =	vadd.s32 v8, v6  }
0x137: {  	v8 =	vadd.s32 $0xFFFFFFFF, v8  }
0x138: {  	vm15 =	vgt.s32 v8, $0x0  }
0x139: {  	v8 =	vnsel vm15, $0x0, v8  }
0x13a: {  	p0 =	sne.s32 s16, $0xC70  }
.Ltmp8:
0x13b: {  	_ = 	snop;
	(pc) =	sbr.rel @p0 .LBB2_19-.Ltmp8, $4  }
0x13c: {  	_ = 	snop  }
0x13d: {  	v10 =	vadd.s32 s16, v5;
	v63 =	vmpcnt.ones.xlane vm14  }
0x13e: {  	[tilespmem:v8+s10+$0x0] =	vst.idx.msk vm14, v10  }
0x13f: {  	s16 =	sadd.s32 $0x40, s16;
	s17 =	sadd.s32 $0x40, s17;
	v6 =	vadd.s32 v6, v63;
	[tilespmem:v8+s11+$0x0] =	vst.idx.msk vm14, v7  }
0x140: {  	(v2sf) =	vpush v6, $0x0;
	_ =	sdelay $0xa  }
0x141: {  	s15 =	sadd.s32 $0x1, s15  }
0x142: {  	p1 =	sne.s32 s15, $0xFA  }
.Ltmp9:
0x143: {  	_ = 	snop;
	(pc) =	sbr.rel @p1 .LBB2_16-.Ltmp9, $4  }
0x144: {  	_ = 	snop  }
0x145: {  	s16 =	spop (v2sf)  }
0x146: {  	p0 =	sgt.s32 s16, $0x7FF  }
0x147: {  	v6 =	vpsel p0, $0x0, v6  }
0x148: {  	s14 =	sadd.s32 $0x1, s14  }
0x149: {  	p0 =	sne.s32 s14, s6  }
.Ltmp10:
0x14a: {  	_ = 	snop;
	(pc) =	sbr.rel @p0 .LBB2_1-.Ltmp10, $4  }
0x14b: {  	[hbm4b:s5+s3] =	stream.linear.scatter [tilespmem:s3], [sflag:$0x3], $0x18800, $0x38;
	[tilespmem:$0x1CA40] =	vst v63  }
0x14c: {  	_ =	swait.ge [sflag:s13], $0x18800  }
0x14d: {  	[sflag:s13] =	ssyncset.done $0x0  }
0x14e: {  	[sflag:s13] =	ssyncadd.s32 $0xFFFE7800  }
0x14f: {  	_ =	sfence.sel $0x180000  }
0x150: {  	[bflag:$0x0] =	sbarrier.arrive $0xFFFF  }
0x151: {  	p0 =	sne.s32 s1, $0x0;
	_ =	strace $0x90000047  }
0x152: {  	s0 =	sadd.s32 @!p0 $0x100000, s0;
	[bflag:$0x2] =	sbarrier.arrive $0xFFFF  }
0x153: {  	[sflag:s0] =	ssyncadd.tile.s32 @!p0 $0x1;
	_ =	shalt  }
.Lfunc_end2:
_tile_overlayer_lowered:
.L_overlay_start_2:
0x154: {  	(tag) =	ssettag $0x2  }
0x155: {  	s0 =	rddreg [dreg:$0x0];
	s2 =	stileid.u32  }
0x156: {  	s1 =	rddreg [dreg:$0x1];
	p0 =	sne.s32 s2, $0x0  }
0x157: {  	s3 =	rddreg [dreg:$0x2];
	[bflag:$0x3] =	sbarrier.arrive $0xFFFF;
	s2 =	simm.s32 @!p0 $0x1C03  }
0x158: {  	[timem:s3], [sflag:s2] =	dma.local @!p0 [hbm:s0], s1  }
0x159: {  	s0 =	simm.s32 @!p0 $0x3  }
0x15a: {  	_ =	swait.ge @!p0 [sflag:s0], s1  }
0x15b: {  	s1 =	ssub.s32 @!p0 $0x0, s1;
	[sflag:s0] =	ssyncset.done @!p0 $0x0  }
0x15c: {  	[sflag:s0] =	ssyncadd.s32 @!p0 s1  }
0x15d: {  	[bflag:$0x3] =	sbarrier.arrive $0xFFFF  }
0x15e: {  	_ =	shalt  }

</sc_bundles>
